<compile_context>
chip_gen: v7x
topology: tpu7x:2x2x1
jax: 0.10.2.dev20260603
libtpu: 0.0.44.dev20260713+nightly
codegen_flags: <defaults>
</compile_context>

<pallas_src>
import functools

import jax
import jax.numpy as jnp
from jax import lax
from jax.experimental import pallas as pl
from jax.experimental.pallas import tpu as pltpu
from jax.experimental.pallas import tpu_sc as plsc

VOCAB = 1_000_000
D_MODEL = 64
BATCH = 16384
SEQ = 50

NC = 2
NS = 16
NW = NC * NS
N_IDX = BATCH * SEQ
CHUNK = 128
N_CHUNKS = N_IDX // CHUNK
CPW = N_CHUNKS // NW
SLOTS = 8
NGROUPS = CPW // SLOTS


def _sc_body(ids_hbm, table_hbm, out_hbm, idx_v, rows_v, gsem, wsem):
    wid = lax.axis_index("s") * NC + lax.axis_index("c")
    chunk0 = wid * CPW

    pltpu.sync_copy(ids_hbm.at[pl.ds(chunk0, CPW)], idx_v)

    def gather(j_local, b):
        pltpu.async_copy(
            table_hbm.at[idx_v.at[j_local]], rows_v.at[b], gsem.at[b]
        )

    def gather_wait(b):
        pltpu.make_async_copy(
            table_hbm.at[idx_v.at[0]], rows_v.at[b], gsem.at[b]
        ).wait()

    def write(j_local, b):
        off = (chunk0 + j_local) * CHUNK
        pltpu.async_copy(rows_v.at[b], out_hbm.at[pl.ds(off, CHUNK)], wsem.at[b])

    def write_wait(b):
        pltpu.make_async_copy(
            rows_v.at[b], out_hbm.at[pl.ds(0, CHUNK)], wsem.at[b]
        ).wait()

    for b in range(SLOTS):
        gather(b, b)

    @pl.loop(0, NGROUPS)
    def _grp(g):
        base = g * SLOTS
        for b in range(SLOTS):
            gather_wait(b)
            write(base + b, b)
        for b in range(SLOTS):
            write_wait(b)

            @pl.when(g < NGROUPS - 1)
            def _():
                gather(base + SLOTS + b, b)


def _sc_lookup(ids2d, table):
    mesh = plsc.VectorSubcoreMesh(
        core_axis_name="c", subcore_axis_name="s", num_cores=NC, num_subcores=NS
    )
    fn = pl.kernel(
        _sc_body,
        out_type=jax.ShapeDtypeStruct((N_IDX, D_MODEL), jnp.float32),
        mesh=mesh,
        scratch_types=[
            pltpu.VMEM((CPW, CHUNK), jnp.int32),
            pltpu.VMEM((SLOTS, CHUNK, D_MODEL), jnp.float32),
            pltpu.SemaphoreType.DMA((SLOTS,)),
            pltpu.SemaphoreType.DMA((SLOTS,)),
        ],
        compiler_params=pltpu.CompilerParams(use_tc_tiling_on_sc=False),
    )
    return fn(ids2d, table)


def kernel(input_ids, delta_table):
    ids2d = jnp.reshape(input_ids.astype(jnp.int32), (N_CHUNKS, CHUNK))
    out = _sc_lookup(ids2d, delta_table)
    return jnp.reshape(out, (BATCH, SEQ, D_MODEL))

# --- scband reference (transcript-rebuilt; emitter-appended) ---
"""Pipeline reference for scband-gdesembedding-7782480741004 (READ-ONLY COPY).

The authoritative reference and input builder live on the scoring server;
editing this copy changes nothing except your own understanding.
"""

import jax, jax.numpy as jnp
import numpy as np

VOCAB = 1000000
D_MODEL = 64
BATCH = 16384
SEQ = 50

def setup_inputs(seed: int = 0) -> dict:
    key = jax.random.key(seed)
    k1, k2 = jax.random.split(key)
    input_ids = jax.random.randint(k1, (BATCH, SEQ), 0, VOCAB, dtype=jnp.int64 if jax.config.jax_enable_x64 else jnp.int32)
    delta_table = jax.random.normal(k2, (VOCAB, D_MODEL), dtype=jnp.float32) * 0.02
    return {"input_ids": input_ids, "delta_table": delta_table}

def reference(input_ids, delta_table):
    # master_weight is None in this instantiation, so forward is the
    # delta-embedding lookup only: self.delta_embedding(input_ids)
    return jnp.take(delta_table, input_ids, axis=0)

if __name__ == "__main__":
    import jax
    _d = setup_inputs()
    print(jax.jit(kernel)(*tuple(_d.values())))

</pallas_src>

<mosaic_0001>
#map = affine_map<(d0, d1) -> (0, 0)>
module attributes {stable_mosaic.version = 14 : i64} {
  func.func @_sc_body(%arg0: i32, %arg1: i32, %arg2: memref<6400x128xi32, #tpu.memory_space<hbm>>, %arg3: memref<1000000x64xf32, #tpu.memory_space<hbm>>, %arg4: memref<819200x64xf32, #tpu.memory_space<hbm>>, %arg5: memref<200x128xi32, #tpu.memory_space<vmem>>, %arg6: memref<8x128x64xf32, #tpu.memory_space<vmem>>, %arg7: memref<8x!tpu.dma_semaphore, #tpu.memory_space<semaphore_mem>>, %arg8: memref<8x!tpu.dma_semaphore, #tpu.memory_space<semaphore_mem>>) attributes {dimension_semantics = [#tpu.dimension_semantics<core_parallel>, #tpu.dimension_semantics<subcore_parallel>], iteration_bounds = array<i64: 2, 16>, scalar_prefetch = 0 : i64, scratch_operands = 4 : i64, tpu.core_type = #tpu.core_type<sc_vector_subcore>, window_params = [{transform_indices = #map}, {transform_indices = #map}, {transform_indices = #map}]} {
    %mul3A = arith.constant 2 : i32
    %mul3A_0 = arith.muli %arg1, %mul3A : i32
    %add3A = arith.addi %mul3A_0, %arg0 : i32
    %mul3A_1 = arith.constant 200 : i32
    %mul3A_2 = arith.muli %add3A, %mul3A_1 : i32
    "tpu.region"() ({
      %run_scoped3A = tpu.sem_alloc : memref<!tpu.dma_semaphore, #tpu.memory_space<semaphore_mem>>
      %dma_start3A_126 = arith.constant 0 : i32
      %dma_start3A_127 = tpu.memref_slice %arg2[%mul3A_2, %dma_start3A_126] : memref<6400x128xi32, #tpu.memory_space<hbm>> -> memref<200x128xi32, #tpu.memory_space<hbm>>
      %dma_start3A_128 = arith.constant 0 : i32
      %dma_start3A_129 = tpu.memref_slice %arg2[%mul3A_2, %dma_start3A_128] : memref<6400x128xi32, #tpu.memory_space<hbm>> -> memref<200x128xi32, #tpu.memory_space<hbm>>
      tpu.enqueue_dma source(%dma_start3A_129 : memref<200x128xi32, #tpu.memory_space<hbm>>) target(%arg5 : memref<200x128xi32, #tpu.memory_space<vmem>>) target_semaphore(%run_scoped3A : memref<!tpu.dma_semaphore, #tpu.memory_space<semaphore_mem>>)
      %dma_wait3A = arith.constant 0 : i32
      %dma_wait3A_130 = tpu.memref_slice %arg2[%mul3A_2, %dma_wait3A] : memref<6400x128xi32, #tpu.memory_space<hbm>> -> memref<200x128xi32, #tpu.memory_space<hbm>>
      %dma_wait3A_131 = arith.constant 0 : i32
      %dma_wait3A_132 = tpu.memref_slice %arg2[%mul3A_2, %dma_wait3A_131] : memref<6400x128xi32, #tpu.memory_space<hbm>> -> memref<200x128xi32, #tpu.memory_space<hbm>>
      tpu.wait_dma2 semaphore(%run_scoped3A : memref<!tpu.dma_semaphore, #tpu.memory_space<semaphore_mem>>) src(%dma_wait3A_132 : memref<200x128xi32, #tpu.memory_space<hbm>>) dst(%arg5 : memref<200x128xi32, #tpu.memory_space<vmem>>)
      tpu.yield
    }) : () -> ()
    %dma_start3A = arith.constant 0 : i32
    %dma_start3A_3 = arith.constant 0 : i32
    %dma_start3A_4 = arith.constant 0 : i32
    %dma_start3A_5 = arith.constant 0 : i32
    %dma_start3A_6 = arith.constant 0 : i32
    %dma_start3A_7 = tpu.memref_slice %arg6[%dma_start3A_3, %dma_start3A_5, %dma_start3A_6] : memref<8x128x64xf32, #tpu.memory_space<vmem>> -> memref<1x128x64xf32, #tpu.memory_space<vmem>>
    %dma_start3A_8 = tpu.memref_squeeze %dma_start3A_7 : memref<1x128x64xf32, #tpu.memory_space<vmem>> -> memref<128x64xf32, #tpu.memory_space<vmem>>
    %dma_start3A_9 = arith.constant 0 : i32
    %dma_start3A_10 = tpu.memref_slice %arg5[%dma_start3A, %dma_start3A_9] : memref<200x128xi32, #tpu.memory_space<vmem>> -> memref<1x128xi32, #tpu.memory_space<vmem>>
    %dma_start3A_11 = tpu.memref_squeeze %dma_start3A_10 : memref<1x128xi32, #tpu.memory_space<vmem>> -> memref<128xi32, #tpu.memory_space<vmem>>
    %dma_start3A_12 = arith.constant 0 : i32
    %dma_start3A_13 = arith.constant 0 : i32
    %dma_start3A_14 = tpu.memref_slice %arg3[%dma_start3A_12, %dma_start3A_13] : memref<1000000x64xf32, #tpu.memory_space<hbm>> -> memref<1000000x64xf32, #tpu.memory_space<hbm>>
    %dma_start3A_15 = tpu.memref_slice %arg7[%dma_start3A_4] : memref<8x!tpu.dma_semaphore, #tpu.memory_space<semaphore_mem>> -> memref<1x!tpu.dma_semaphore, #tpu.memory_space<semaphore_mem>>
    %dma_start3A_16 = tpu.memref_squeeze %dma_start3A_15 : memref<1x!tpu.dma_semaphore, #tpu.memory_space<semaphore_mem>> -> memref<!tpu.dma_semaphore, #tpu.memory_space<semaphore_mem>>
    tpu.enqueue_indirect_dma source(%dma_start3A_14 : memref<1000000x64xf32, #tpu.memory_space<hbm>>) target(%dma_start3A_8 : memref<128x64xf32, #tpu.memory_space<vmem>>) offsets(%dma_start3A_11 : memref<128xi32, #tpu.memory_space<vmem>>) semaphore(%dma_start3A_16 : memref<!tpu.dma_semaphore, #tpu.memory_space<semaphore_mem>>)
    %dma_start3A_17 = arith.constant 1 : i32
    %dma_start3A_18 = arith.constant 1 : i32
    %dma_start3A_19 = arith.constant 1 : i32
    %dma_start3A_20 = arith.constant 0 : i32
    %dma_start3A_21 = arith.constant 0 : i32
    %dma_start3A_22 = tpu.memref_slice %arg6[%dma_start3A_18, %dma_start3A_20, %dma_start3A_21] : memref<8x128x64xf32, #tpu.memory_space<vmem>> -> memref<1x128x64xf32, #tpu.memory_space<vmem>>
    %dma_start3A_23 = tpu.memref_squeeze %dma_start3A_22 : memref<1x128x64xf32, #tpu.memory_space<vmem>> -> memref<128x64xf32, #tpu.memory_space<vmem>>
    %dma_start3A_24 = arith.constant 0 : i32
    %dma_start3A_25 = tpu.memref_slice %arg5[%dma_start3A_17, %dma_start3A_24] : memref<200x128xi32, #tpu.memory_space<vmem>> -> memref<1x128xi32, #tpu.memory_space<vmem>>
    %dma_start3A_26 = tpu.memref_squeeze %dma_start3A_25 : memref<1x128xi32, #tpu.memory_space<vmem>> -> memref<128xi32, #tpu.memory_space<vmem>>
    %dma_start3A_27 = arith.constant 0 : i32
    %dma_start3A_28 = arith.constant 0 : i32
    %dma_start3A_29 = tpu.memref_slice %arg3[%dma_start3A_27, %dma_start3A_28] : memref<1000000x64xf32, #tpu.memory_space<hbm>> -> memref<1000000x64xf32, #tpu.memory_space<hbm>>
    %dma_start3A_30 = tpu.memref_slice %arg7[%dma_start3A_19] : memref<8x!tpu.dma_semaphore, #tpu.memory_space<semaphore_mem>> -> memref<1x!tpu.dma_semaphore, #tpu.memory_space<semaphore_mem>>
    %dma_start3A_31 = tpu.memref_squeeze %dma_start3A_30 : memref<1x!tpu.dma_semaphore, #tpu.memory_space<semaphore_mem>> -> memref<!tpu.dma_semaphore, #tpu.memory_space<semaphore_mem>>
    tpu.enqueue_indirect_dma source(%dma_start3A_29 : memref<1000000x64xf32, #tpu.memory_space<hbm>>) target(%dma_start3A_23 : memref<128x64xf32, #tpu.memory_space<vmem>>) offsets(%dma_start3A_26 : memref<128xi32, #tpu.memory_space<vmem>>) semaphore(%dma_start3A_31 : memref<!tpu.dma_semaphore, #tpu.memory_space<semaphore_mem>>)
    %dma_start3A_32 = arith.constant 2 : i32
    %dma_start3A_33 = arith.constant 2 : i32
    %dma_start3A_34 = arith.constant 2 : i32
    %dma_start3A_35 = arith.constant 0 : i32
    %dma_start3A_36 = arith.constant 0 : i32
    %dma_start3A_37 = tpu.memref_slice %arg6[%dma_start3A_33, %dma_start3A_35, %dma_start3A_36] : memref<8x128x64xf32, #tpu.memory_space<vmem>> -> memref<1x128x64xf32, #tpu.memory_space<vmem>>
    %dma_start3A_38 = tpu.memref_squeeze %dma_start3A_37 : memref<1x128x64xf32, #tpu.memory_space<vmem>> -> memref<128x64xf32, #tpu.memory_space<vmem>>
    %dma_start3A_39 = arith.constant 0 : i32
    %dma_start3A_40 = tpu.memref_slice %arg5[%dma_start3A_32, %dma_start3A_39] : memref<200x128xi32, #tpu.memory_space<vmem>> -> memref<1x128xi32, #tpu.memory_space<vmem>>
    %dma_start3A_41 = tpu.memref_squeeze %dma_start3A_40 : memref<1x128xi32, #tpu.memory_space<vmem>> -> memref<128xi32, #tpu.memory_space<vmem>>
    %dma_start3A_42 = arith.constant 0 : i32
    %dma_start3A_43 = arith.constant 0 : i32
    %dma_start3A_44 = tpu.memref_slice %arg3[%dma_start3A_42, %dma_start3A_43] : memref<1000000x64xf32, #tpu.memory_space<hbm>> -> memref<1000000x64xf32, #tpu.memory_space<hbm>>
    %dma_start3A_45 = tpu.memref_slice %arg7[%dma_start3A_34] : memref<8x!tpu.dma_semaphore, #tpu.memory_space<semaphore_mem>> -> memref<1x!tpu.dma_semaphore, #tpu.memory_space<semaphore_mem>>
    %dma_start3A_46 = tpu.memref_squeeze %dma_start3A_45 : memref<1x!tpu.dma_semaphore, #tpu.memory_space<semaphore_mem>> -> memref<!tpu.dma_semaphore, #tpu.memory_space<semaphore_mem>>
    tpu.enqueue_indirect_dma source(%dma_start3A_44 : memref<1000000x64xf32, #tpu.memory_space<hbm>>) target(%dma_start3A_38 : memref<128x64xf32, #tpu.memory_space<vmem>>) offsets(%dma_start3A_41 : memref<128xi32, #tpu.memory_space<vmem>>) semaphore(%dma_start3A_46 : memref<!tpu.dma_semaphore, #tpu.memory_space<semaphore_mem>>)
    %dma_start3A_47 = arith.constant 3 : i32
    %dma_start3A_48 = arith.constant 3 : i32
    %dma_start3A_49 = arith.constant 3 : i32
    %dma_start3A_50 = arith.constant 0 : i32
    %dma_start3A_51 = arith.constant 0 : i32
    %dma_start3A_52 = tpu.memref_slice %arg6[%dma_start3A_48, %dma_start3A_50, %dma_start3A_51] : memref<8x128x64xf32, #tpu.memory_space<vmem>> -> memref<1x128x64xf32, #tpu.memory_space<vmem>>
    %dma_start3A_53 = tpu.memref_squeeze %dma_start3A_52 : memref<1x128x64xf32, #tpu.memory_space<vmem>> -> memref<128x64xf32, #tpu.memory_space<vmem>>
    %dma_start3A_54 = arith.constant 0 : i32
    %dma_start3A_55 = tpu.memref_slice %arg5[%dma_start3A_47, %dma_start3A_54] : memref<200x128xi32, #tpu.memory_space<vmem>> -> memref<1x128xi32, #tpu.memory_space<vmem>>
    %dma_start3A_56 = tpu.memref_squeeze %dma_start3A_55 : memref<1x128xi32, #tpu.memory_space<vmem>> -> memref<128xi32, #tpu.memory_space<vmem>>
    %dma_start3A_57 = arith.constant 0 : i32
    %dma_start3A_58 = arith.constant 0 : i32
    %dma_start3A_59 = tpu.memref_slice %arg3[%dma_start3A_57, %dma_start3A_58] : memref<1000000x64xf32, #tpu.memory_space<hbm>> -> memref<1000000x64xf32, #tpu.memory_space<hbm>>
    %dma_start3A_60 = tpu.memref_slice %arg7[%dma_start3A_49] : memref<8x!tpu.dma_semaphore, #tpu.memory_space<semaphore_mem>> -> memref<1x!tpu.dma_semaphore, #tpu.memory_space<semaphore_mem>>
    %dma_start3A_61 = tpu.memref_squeeze %dma_start3A_60 : memref<1x!tpu.dma_semaphore, #tpu.memory_space<semaphore_mem>> -> memref<!tpu.dma_semaphore, #tpu.memory_space<semaphore_mem>>
    tpu.enqueue_indirect_dma source(%dma_start3A_59 : memref<1000000x64xf32, #tpu.memory_space<hbm>>) target(%dma_start3A_53 : memref<128x64xf32, #tpu.memory_space<vmem>>) offsets(%dma_start3A_56 : memref<128xi32, #tpu.memory_space<vmem>>) semaphore(%dma_start3A_61 : memref<!tpu.dma_semaphore, #tpu.memory_space<semaphore_mem>>)
    %dma_start3A_62 = arith.constant 4 : i32
    %dma_start3A_63 = arith.constant 4 : i32
    %dma_start3A_64 = arith.constant 4 : i32
    %dma_start3A_65 = arith.constant 0 : i32
    %dma_start3A_66 = arith.constant 0 : i32
    %dma_start3A_67 = tpu.memref_slice %arg6[%dma_start3A_63, %dma_start3A_65, %dma_start3A_66] : memref<8x128x64xf32, #tpu.memory_space<vmem>> -> memref<1x128x64xf32, #tpu.memory_space<vmem>>
    %dma_start3A_68 = tpu.memref_squeeze %dma_start3A_67 : memref<1x128x64xf32, #tpu.memory_space<vmem>> -> memref<128x64xf32, #tpu.memory_space<vmem>>
    %dma_start3A_69 = arith.constant 0 : i32
    %dma_start3A_70 = tpu.memref_slice %arg5[%dma_start3A_62, %dma_start3A_69] : memref<200x128xi32, #tpu.memory_space<vmem>> -> memref<1x128xi32, #tpu.memory_space<vmem>>
    %dma_start3A_71 = tpu.memref_squeeze %dma_start3A_70 : memref<1x128xi32, #tpu.memory_space<vmem>> -> memref<128xi32, #tpu.memory_space<vmem>>
    %dma_start3A_72 = arith.constant 0 : i32
    %dma_start3A_73 = arith.constant 0 : i32
    %dma_start3A_74 = tpu.memref_slice %arg3[%dma_start3A_72, %dma_start3A_73] : memref<1000000x64xf32, #tpu.memory_space<hbm>> -> memref<1000000x64xf32, #tpu.memory_space<hbm>>
    %dma_start3A_75 = tpu.memref_slice %arg7[%dma_start3A_64] : memref<8x!tpu.dma_semaphore, #tpu.memory_space<semaphore_mem>> -> memref<1x!tpu.dma_semaphore, #tpu.memory_space<semaphore_mem>>
    %dma_start3A_76 = tpu.memref_squeeze %dma_start3A_75 : memref<1x!tpu.dma_semaphore, #tpu.memory_space<semaphore_mem>> -> memref<!tpu.dma_semaphore, #tpu.memory_space<semaphore_mem>>
    tpu.enqueue_indirect_dma source(%dma_start3A_74 : memref<1000000x64xf32, #tpu.memory_space<hbm>>) target(%dma_start3A_68 : memref<128x64xf32, #tpu.memory_space<vmem>>) offsets(%dma_start3A_71 : memref<128xi32, #tpu.memory_space<vmem>>) semaphore(%dma_start3A_76 : memref<!tpu.dma_semaphore, #tpu.memory_space<semaphore_mem>>)
    %dma_start3A_77 = arith.constant 5 : i32
    %dma_start3A_78 = arith.constant 5 : i32
    %dma_start3A_79 = arith.constant 5 : i32
    %dma_start3A_80 = arith.constant 0 : i32
    %dma_start3A_81 = arith.constant 0 : i32
    %dma_start3A_82 = tpu.memref_slice %arg6[%dma_start3A_78, %dma_start3A_80, %dma_start3A_81] : memref<8x128x64xf32, #tpu.memory_space<vmem>> -> memref<1x128x64xf32, #tpu.memory_space<vmem>>
    %dma_start3A_83 = tpu.memref_squeeze %dma_start3A_82 : memref<1x128x64xf32, #tpu.memory_space<vmem>> -> memref<128x64xf32, #tpu.memory_space<vmem>>
    %dma_start3A_84 = arith.constant 0 : i32
    %dma_start3A_85 = tpu.memref_slice %arg5[%dma_start3A_77, %dma_start3A_84] : memref<200x128xi32, #tpu.memory_space<vmem>> -> memref<1x128xi32, #tpu.memory_space<vmem>>
    %dma_start3A_86 = tpu.memref_squeeze %dma_start3A_85 : memref<1x128xi32, #tpu.memory_space<vmem>> -> memref<128xi32, #tpu.memory_space<vmem>>
    %dma_start3A_87 = arith.constant 0 : i32
    %dma_start3A_88 = arith.constant 0 : i32
    %dma_start3A_89 = tpu.memref_slice %arg3[%dma_start3A_87, %dma_start3A_88] : memref<1000000x64xf32, #tpu.memory_space<hbm>> -> memref<1000000x64xf32, #tpu.memory_space<hbm>>
    %dma_start3A_90 = tpu.memref_slice %arg7[%dma_start3A_79] : memref<8x!tpu.dma_semaphore, #tpu.memory_space<semaphore_mem>> -> memref<1x!tpu.dma_semaphore, #tpu.memory_space<semaphore_mem>>
    %dma_start3A_91 = tpu.memref_squeeze %dma_start3A_90 : memref<1x!tpu.dma_semaphore, #tpu.memory_space<semaphore_mem>> -> memref<!tpu.dma_semaphore, #tpu.memory_space<semaphore_mem>>
    tpu.enqueue_indirect_dma source(%dma_start3A_89 : memref<1000000x64xf32, #tpu.memory_space<hbm>>) target(%dma_start3A_83 : memref<128x64xf32, #tpu.memory_space<vmem>>) offsets(%dma_start3A_86 : memref<128xi32, #tpu.memory_space<vmem>>) semaphore(%dma_start3A_91 : memref<!tpu.dma_semaphore, #tpu.memory_space<semaphore_mem>>)
    %dma_start3A_92 = arith.constant 6 : i32
    %dma_start3A_93 = arith.constant 6 : i32
    %dma_start3A_94 = arith.constant 6 : i32
    %dma_start3A_95 = arith.constant 0 : i32
    %dma_start3A_96 = arith.constant 0 : i32
    %dma_start3A_97 = tpu.memref_slice %arg6[%dma_start3A_93, %dma_start3A_95, %dma_start3A_96] : memref<8x128x64xf32, #tpu.memory_space<vmem>> -> memref<1x128x64xf32, #tpu.memory_space<vmem>>
    %dma_start3A_98 = tpu.memref_squeeze %dma_start3A_97 : memref<1x128x64xf32, #tpu.memory_space<vmem>> -> memref<128x64xf32, #tpu.memory_space<vmem>>
    %dma_start3A_99 = arith.constant 0 : i32
    %dma_start3A_100 = tpu.memref_slice %arg5[%dma_start3A_92, %dma_start3A_99] : memref<200x128xi32, #tpu.memory_space<vmem>> -> memref<1x128xi32, #tpu.memory_space<vmem>>
    %dma_start3A_101 = tpu.memref_squeeze %dma_start3A_100 : memref<1x128xi32, #tpu.memory_space<vmem>> -> memref<128xi32, #tpu.memory_space<vmem>>
    %dma_start3A_102 = arith.constant 0 : i32
    %dma_start3A_103 = arith.constant 0 : i32
    %dma_start3A_104 = tpu.memref_slice %arg3[%dma_start3A_102, %dma_start3A_103] : memref<1000000x64xf32, #tpu.memory_space<hbm>> -> memref<1000000x64xf32, #tpu.memory_space<hbm>>
    %dma_start3A_105 = tpu.memref_slice %arg7[%dma_start3A_94] : memref<8x!tpu.dma_semaphore, #tpu.memory_space<semaphore_mem>> -> memref<1x!tpu.dma_semaphore, #tpu.memory_space<semaphore_mem>>
    %dma_start3A_106 = tpu.memref_squeeze %dma_start3A_105 : memref<1x!tpu.dma_semaphore, #tpu.memory_space<semaphore_mem>> -> memref<!tpu.dma_semaphore, #tpu.memory_space<semaphore_mem>>
    tpu.enqueue_indirect_dma source(%dma_start3A_104 : memref<1000000x64xf32, #tpu.memory_space<hbm>>) target(%dma_start3A_98 : memref<128x64xf32, #tpu.memory_space<vmem>>) offsets(%dma_start3A_101 : memref<128xi32, #tpu.memory_space<vmem>>) semaphore(%dma_start3A_106 : memref<!tpu.dma_semaphore, #tpu.memory_space<semaphore_mem>>)
    %dma_start3A_107 = arith.constant 7 : i32
    %dma_start3A_108 = arith.constant 7 : i32
    %dma_start3A_109 = arith.constant 7 : i32
    %dma_start3A_110 = arith.constant 0 : i32
    %dma_start3A_111 = arith.constant 0 : i32
    %dma_start3A_112 = tpu.memref_slice %arg6[%dma_start3A_108, %dma_start3A_110, %dma_start3A_111] : memref<8x128x64xf32, #tpu.memory_space<vmem>> -> memref<1x128x64xf32, #tpu.memory_space<vmem>>
    %dma_start3A_113 = tpu.memref_squeeze %dma_start3A_112 : memref<1x128x64xf32, #tpu.memory_space<vmem>> -> memref<128x64xf32, #tpu.memory_space<vmem>>
    %dma_start3A_114 = arith.constant 0 : i32
    %dma_start3A_115 = tpu.memref_slice %arg5[%dma_start3A_107, %dma_start3A_114] : memref<200x128xi32, #tpu.memory_space<vmem>> -> memref<1x128xi32, #tpu.memory_space<vmem>>
    %dma_start3A_116 = tpu.memref_squeeze %dma_start3A_115 : memref<1x128xi32, #tpu.memory_space<vmem>> -> memref<128xi32, #tpu.memory_space<vmem>>
    %dma_start3A_117 = arith.constant 0 : i32
    %dma_start3A_118 = arith.constant 0 : i32
    %dma_start3A_119 = tpu.memref_slice %arg3[%dma_start3A_117, %dma_start3A_118] : memref<1000000x64xf32, #tpu.memory_space<hbm>> -> memref<1000000x64xf32, #tpu.memory_space<hbm>>
    %dma_start3A_120 = tpu.memref_slice %arg7[%dma_start3A_109] : memref<8x!tpu.dma_semaphore, #tpu.memory_space<semaphore_mem>> -> memref<1x!tpu.dma_semaphore, #tpu.memory_space<semaphore_mem>>
    %dma_start3A_121 = tpu.memref_squeeze %dma_start3A_120 : memref<1x!tpu.dma_semaphore, #tpu.memory_space<semaphore_mem>> -> memref<!tpu.dma_semaphore, #tpu.memory_space<semaphore_mem>>
    tpu.enqueue_indirect_dma source(%dma_start3A_119 : memref<1000000x64xf32, #tpu.memory_space<hbm>>) target(%dma_start3A_113 : memref<128x64xf32, #tpu.memory_space<vmem>>) offsets(%dma_start3A_116 : memref<128xi32, #tpu.memory_space<vmem>>) semaphore(%dma_start3A_121 : memref<!tpu.dma_semaphore, #tpu.memory_space<semaphore_mem>>)
    %scan3A = arith.constant 0 : i32
    %scan3A_122 = arith.constant 25 : i32
    %scan3A_123 = arith.addi %scan3A, %scan3A_122 : i32
    %scan3A_124 = arith.constant 1 : i32
    scf.for %scan3A_126 = %scan3A to %scan3A_123 step %scan3A_124  : i32 {
      %mul3A_127 = arith.constant 1 : i32
      %mul3A_128 = arith.muli %scan3A_126, %mul3A_127 : i32
      %add3A_129 = arith.constant 0 : i32
      %add3A_130 = arith.addi %add3A_129, %mul3A_128 : i32
      %mul3A_131 = arith.constant 8 : i32
      %mul3A_132 = arith.muli %add3A_130, %mul3A_131 : i32
      %dma_wait3A = arith.constant 0 : i32
      %dma_wait3A_133 = arith.constant 0 : i32
      %dma_wait3A_134 = arith.constant 0 : i32
      %dma_wait3A_135 = arith.constant 0 : i32
      %dma_wait3A_136 = arith.constant 0 : i32
      %dma_wait3A_137 = tpu.memref_slice %arg6[%dma_wait3A_133, %dma_wait3A_135, %dma_wait3A_136] : memref<8x128x64xf32, #tpu.memory_space<vmem>> -> memref<1x128x64xf32, #tpu.memory_space<vmem>>
      %dma_wait3A_138 = tpu.memref_squeeze %dma_wait3A_137 : memref<1x128x64xf32, #tpu.memory_space<vmem>> -> memref<128x64xf32, #tpu.memory_space<vmem>>
      %dma_wait3A_139 = arith.constant 0 : i32
      %dma_wait3A_140 = tpu.memref_slice %arg5[%dma_wait3A, %dma_wait3A_139] : memref<200x128xi32, #tpu.memory_space<vmem>> -> memref<1x128xi32, #tpu.memory_space<vmem>>
      %dma_wait3A_141 = tpu.memref_squeeze %dma_wait3A_140 : memref<1x128xi32, #tpu.memory_space<vmem>> -> memref<128xi32, #tpu.memory_space<vmem>>
      %dma_wait3A_142 = arith.constant 0 : i32
      %dma_wait3A_143 = arith.constant 0 : i32
      %dma_wait3A_144 = tpu.memref_slice %arg3[%dma_wait3A_142, %dma_wait3A_143] : memref<1000000x64xf32, #tpu.memory_space<hbm>> -> memref<1000000x64xf32, #tpu.memory_space<hbm>>
      %dma_wait3A_145 = tpu.memref_slice %arg7[%dma_wait3A_134] : memref<8x!tpu.dma_semaphore, #tpu.memory_space<semaphore_mem>> -> memref<1x!tpu.dma_semaphore, #tpu.memory_space<semaphore_mem>>
      %dma_wait3A_146 = tpu.memref_squeeze %dma_wait3A_145 : memref<1x!tpu.dma_semaphore, #tpu.memory_space<semaphore_mem>> -> memref<!tpu.dma_semaphore, #tpu.memory_space<semaphore_mem>>
      tpu.wait_indirect_dma semaphore(%dma_wait3A_146 : memref<!tpu.dma_semaphore, #tpu.memory_space<semaphore_mem>>) src(%dma_wait3A_144 : memref<1000000x64xf32, #tpu.memory_space<hbm>>) dst(%dma_wait3A_138 : memref<128x64xf32, #tpu.memory_space<vmem>>)
      %add3A_147 = arith.constant 0 : i32
      %add3A_148 = arith.addi %mul3A_132, %add3A_147 : i32
      %add3A_149 = arith.addi %mul3A_2, %add3A_148 : i32
      %mul3A_150 = arith.constant 128 : i32
      %mul3A_151 = arith.muli %add3A_149, %mul3A_150 : i32
      %dma_start3A_152 = arith.constant 0 : i32
      %dma_start3A_153 = arith.constant 0 : i32
      %dma_start3A_154 = arith.constant 0 : i32
      %dma_start3A_155 = arith.constant 0 : i32
      %dma_start3A_156 = tpu.memref_slice %arg6[%dma_start3A_152, %dma_start3A_154, %dma_start3A_155] : memref<8x128x64xf32, #tpu.memory_space<vmem>> -> memref<1x128x64xf32, #tpu.memory_space<vmem>>
      %dma_start3A_157 = tpu.memref_squeeze %dma_start3A_156 : memref<1x128x64xf32, #tpu.memory_space<vmem>> -> memref<128x64xf32, #tpu.memory_space<vmem>>
      %dma_start3A_158 = arith.constant 0 : i32
      %dma_start3A_159 = tpu.memref_slice %arg4[%mul3A_151, %dma_start3A_158] : memref<819200x64xf32, #tpu.memory_space<hbm>> -> memref<128x64xf32, #tpu.memory_space<hbm>>
      %dma_start3A_160 = tpu.memref_slice %arg8[%dma_start3A_153] : memref<8x!tpu.dma_semaphore, #tpu.memory_space<semaphore_mem>> -> memref<1x!tpu.dma_semaphore, #tpu.memory_space<semaphore_mem>>
      %dma_start3A_161 = tpu.memref_squeeze %dma_start3A_160 : memref<1x!tpu.dma_semaphore, #tpu.memory_space<semaphore_mem>> -> memref<!tpu.dma_semaphore, #tpu.memory_space<semaphore_mem>>
      %dma_start3A_162 = arith.constant 0 : i32
      %dma_start3A_163 = tpu.memref_slice %arg4[%mul3A_151, %dma_start3A_162] : memref<819200x64xf32, #tpu.memory_space<hbm>> -> memref<128x64xf32, #tpu.memory_space<hbm>>
      %dma_start3A_164 = arith.constant 0 : i32
      %dma_start3A_165 = arith.constant 0 : i32
      %dma_start3A_166 = tpu.memref_slice %arg6[%dma_start3A_152, %dma_start3A_164, %dma_start3A_165] : memref<8x128x64xf32, #tpu.memory_space<vmem>> -> memref<1x128x64xf32, #tpu.memory_space<vmem>>
      %dma_start3A_167 = tpu.memref_squeeze %dma_start3A_166 : memref<1x128x64xf32, #tpu.memory_space<vmem>> -> memref<128x64xf32, #tpu.memory_space<vmem>>
      tpu.enqueue_dma source(%dma_start3A_167 : memref<128x64xf32, #tpu.memory_space<vmem>>) target(%dma_start3A_163 : memref<128x64xf32, #tpu.memory_space<hbm>>) target_semaphore(%dma_start3A_161 : memref<!tpu.dma_semaphore, #tpu.memory_space<semaphore_mem>>)
      %dma_wait3A_168 = arith.constant 0 : i32
      %dma_wait3A_169 = arith.constant 1 : i32
      %dma_wait3A_170 = arith.constant 1 : i32
      %dma_wait3A_171 = arith.constant 0 : i32
      %dma_wait3A_172 = arith.constant 0 : i32
      %dma_wait3A_173 = tpu.memref_slice %arg6[%dma_wait3A_169, %dma_wait3A_171, %dma_wait3A_172] : memref<8x128x64xf32, #tpu.memory_space<vmem>> -> memref<1x128x64xf32, #tpu.memory_space<vmem>>
      %dma_wait3A_174 = tpu.memref_squeeze %dma_wait3A_173 : memref<1x128x64xf32, #tpu.memory_space<vmem>> -> memref<128x64xf32, #tpu.memory_space<vmem>>
      %dma_wait3A_175 = arith.constant 0 : i32
      %dma_wait3A_176 = tpu.memref_slice %arg5[%dma_wait3A_168, %dma_wait3A_175] : memref<200x128xi32, #tpu.memory_space<vmem>> -> memref<1x128xi32, #tpu.memory_space<vmem>>
      %dma_wait3A_177 = tpu.memref_squeeze %dma_wait3A_176 : memref<1x128xi32, #tpu.memory_space<vmem>> -> memref<128xi32, #tpu.memory_space<vmem>>
      %dma_wait3A_178 = arith.constant 0 : i32
      %dma_wait3A_179 = arith.constant 0 : i32
      %dma_wait3A_180 = tpu.memref_slice %arg3[%dma_wait3A_178, %dma_wait3A_179] : memref<1000000x64xf32, #tpu.memory_space<hbm>> -> memref<1000000x64xf32, #tpu.memory_space<hbm>>
      %dma_wait3A_181 = tpu.memref_slice %arg7[%dma_wait3A_170] : memref<8x!tpu.dma_semaphore, #tpu.memory_space<semaphore_mem>> -> memref<1x!tpu.dma_semaphore, #tpu.memory_space<semaphore_mem>>
      %dma_wait3A_182 = tpu.memref_squeeze %dma_wait3A_181 : memref<1x!tpu.dma_semaphore, #tpu.memory_space<semaphore_mem>> -> memref<!tpu.dma_semaphore, #tpu.memory_space<semaphore_mem>>
      tpu.wait_indirect_dma semaphore(%dma_wait3A_182 : memref<!tpu.dma_semaphore, #tpu.memory_space<semaphore_mem>>) src(%dma_wait3A_180 : memref<1000000x64xf32, #tpu.memory_space<hbm>>) dst(%dma_wait3A_174 : memref<128x64xf32, #tpu.memory_space<vmem>>)
      %add3A_183 = arith.constant 1 : i32
      %add3A_184 = arith.addi %mul3A_132, %add3A_183 : i32
      %add3A_185 = arith.addi %mul3A_2, %add3A_184 : i32
      %mul3A_186 = arith.constant 128 : i32
      %mul3A_187 = arith.muli %add3A_185, %mul3A_186 : i32
      %dma_start3A_188 = arith.constant 1 : i32
      %dma_start3A_189 = arith.constant 1 : i32
      %dma_start3A_190 = arith.constant 0 : i32
      %dma_start3A_191 = arith.constant 0 : i32
      %dma_start3A_192 = tpu.memref_slice %arg6[%dma_start3A_188, %dma_start3A_190, %dma_start3A_191] : memref<8x128x64xf32, #tpu.memory_space<vmem>> -> memref<1x128x64xf32, #tpu.memory_space<vmem>>
      %dma_start3A_193 = tpu.memref_squeeze %dma_start3A_192 : memref<1x128x64xf32, #tpu.memory_space<vmem>> -> memref<128x64xf32, #tpu.memory_space<vmem>>
      %dma_start3A_194 = arith.constant 0 : i32
      %dma_start3A_195 = tpu.memref_slice %arg4[%mul3A_187, %dma_start3A_194] : memref<819200x64xf32, #tpu.memory_space<hbm>> -> memref<128x64xf32, #tpu.memory_space<hbm>>
      %dma_start3A_196 = tpu.memref_slice %arg8[%dma_start3A_189] : memref<8x!tpu.dma_semaphore, #tpu.memory_space<semaphore_mem>> -> memref<1x!tpu.dma_semaphore, #tpu.memory_space<semaphore_mem>>
      %dma_start3A_197 = tpu.memref_squeeze %dma_start3A_196 : memref<1x!tpu.dma_semaphore, #tpu.memory_space<semaphore_mem>> -> memref<!tpu.dma_semaphore, #tpu.memory_space<semaphore_mem>>
      %dma_start3A_198 = arith.constant 0 : i32
      %dma_start3A_199 = tpu.memref_slice %arg4[%mul3A_187, %dma_start3A_198] : memref<819200x64xf32, #tpu.memory_space<hbm>> -> memref<128x64xf32, #tpu.memory_space<hbm>>
      %dma_start3A_200 = arith.constant 0 : i32
      %dma_start3A_201 = arith.constant 0 : i32
      %dma_start3A_202 = tpu.memref_slice %arg6[%dma_start3A_188, %dma_start3A_200, %dma_start3A_201] : memref<8x128x64xf32, #tpu.memory_space<vmem>> -> memref<1x128x64xf32, #tpu.memory_space<vmem>>
      %dma_start3A_203 = tpu.memref_squeeze %dma_start3A_202 : memref<1x128x64xf32, #tpu.memory_space<vmem>> -> memref<128x64xf32, #tpu.memory_space<vmem>>
      tpu.enqueue_dma source(%dma_start3A_203 : memref<128x64xf32, #tpu.memory_space<vmem>>) target(%dma_start3A_199 : memref<128x64xf32, #tpu.memory_space<hbm>>) target_semaphore(%dma_start3A_197 : memref<!tpu.dma_semaphore, #tpu.memory_space<semaphore_mem>>)
      %dma_wait3A_204 = arith.constant 0 : i32
      %dma_wait3A_205 = arith.constant 2 : i32
      %dma_wait3A_206 = arith.constant 2 : i32
      %dma_wait3A_207 = arith.constant 0 : i32
      %dma_wait3A_208 = arith.constant 0 : i32
      %dma_wait3A_209 = tpu.memref_slice %arg6[%dma_wait3A_205, %dma_wait3A_207, %dma_wait3A_208] : memref<8x128x64xf32, #tpu.memory_space<vmem>> -> memref<1x128x64xf32, #tpu.memory_space<vmem>>
      %dma_wait3A_210 = tpu.memref_squeeze %dma_wait3A_209 : memref<1x128x64xf32, #tpu.memory_space<vmem>> -> memref<128x64xf32, #tpu.memory_space<vmem>>
      %dma_wait3A_211 = arith.constant 0 : i32
      %dma_wait3A_212 = tpu.memref_slice %arg5[%dma_wait3A_204, %dma_wait3A_211] : memref<200x128xi32, #tpu.memory_space<vmem>> -> memref<1x128xi32, #tpu.memory_space<vmem>>
      %dma_wait3A_213 = tpu.memref_squeeze %dma_wait3A_212 : memref<1x128xi32, #tpu.memory_space<vmem>> -> memref<128xi32, #tpu.memory_space<vmem>>
      %dma_wait3A_214 = arith.constant 0 : i32
      %dma_wait3A_215 = arith.constant 0 : i32
      %dma_wait3A_216 = tpu.memref_slice %arg3[%dma_wait3A_214, %dma_wait3A_215] : memref<1000000x64xf32, #tpu.memory_space<hbm>> -> memref<1000000x64xf32, #tpu.memory_space<hbm>>
      %dma_wait3A_217 = tpu.memref_slice %arg7[%dma_wait3A_206] : memref<8x!tpu.dma_semaphore, #tpu.memory_space<semaphore_mem>> -> memref<1x!tpu.dma_semaphore, #tpu.memory_space<semaphore_mem>>
      %dma_wait3A_218 = tpu.memref_squeeze %dma_wait3A_217 : memref<1x!tpu.dma_semaphore, #tpu.memory_space<semaphore_mem>> -> memref<!tpu.dma_semaphore, #tpu.memory_space<semaphore_mem>>
      tpu.wait_indirect_dma semaphore(%dma_wait3A_218 : memref<!tpu.dma_semaphore, #tpu.memory_space<semaphore_mem>>) src(%dma_wait3A_216 : memref<1000000x64xf32, #tpu.memory_space<hbm>>) dst(%dma_wait3A_210 : memref<128x64xf32, #tpu.memory_space<vmem>>)
      %add3A_219 = arith.constant 2 : i32
      %add3A_220 = arith.addi %mul3A_132, %add3A_219 : i32
      %add3A_221 = arith.addi %mul3A_2, %add3A_220 : i32
      %mul3A_222 = arith.constant 128 : i32
      %mul3A_223 = arith.muli %add3A_221, %mul3A_222 : i32
      %dma_start3A_224 = arith.constant 2 : i32
      %dma_start3A_225 = arith.constant 2 : i32
      %dma_start3A_226 = arith.constant 0 : i32
      %dma_start3A_227 = arith.constant 0 : i32
      %dma_start3A_228 = tpu.memref_slice %arg6[%dma_start3A_224, %dma_start3A_226, %dma_start3A_227] : memref<8x128x64xf32, #tpu.memory_space<vmem>> -> memref<1x128x64xf32, #tpu.memory_space<vmem>>
      %dma_start3A_229 = tpu.memref_squeeze %dma_start3A_228 : memref<1x128x64xf32, #tpu.memory_space<vmem>> -> memref<128x64xf32, #tpu.memory_space<vmem>>
      %dma_start3A_230 = arith.constant 0 : i32
      %dma_start3A_231 = tpu.memref_slice %arg4[%mul3A_223, %dma_start3A_230] : memref<819200x64xf32, #tpu.memory_space<hbm>> -> memref<128x64xf32, #tpu.memory_space<hbm>>
      %dma_start3A_232 = tpu.memref_slice %arg8[%dma_start3A_225] : memref<8x!tpu.dma_semaphore, #tpu.memory_space<semaphore_mem>> -> memref<1x!tpu.dma_semaphore, #tpu.memory_space<semaphore_mem>>
      %dma_start3A_233 = tpu.memref_squeeze %dma_start3A_232 : memref<1x!tpu.dma_semaphore, #tpu.memory_space<semaphore_mem>> -> memref<!tpu.dma_semaphore, #tpu.memory_space<semaphore_mem>>
      %dma_start3A_234 = arith.constant 0 : i32
      %dma_start3A_235 = tpu.memref_slice %arg4[%mul3A_223, %dma_start3A_234] : memref<819200x64xf32, #tpu.memory_space<hbm>> -> memref<128x64xf32, #tpu.memory_space<hbm>>
      %dma_start3A_236 = arith.constant 0 : i32
      %dma_start3A_237 = arith.constant 0 : i32
      %dma_start3A_238 = tpu.memref_slice %arg6[%dma_start3A_224, %dma_start3A_236, %dma_start3A_237] : memref<8x128x64xf32, #tpu.memory_space<vmem>> -> memref<1x128x64xf32, #tpu.memory_space<vmem>>
      %dma_start3A_239 = tpu.memref_squeeze %dma_start3A_238 : memref<1x128x64xf32, #tpu.memory_space<vmem>> -> memref<128x64xf32, #tpu.memory_space<vmem>>
      tpu.enqueue_dma source(%dma_start3A_239 : memref<128x64xf32, #tpu.memory_space<vmem>>) target(%dma_start3A_235 : memref<128x64xf32, #tpu.memory_space<hbm>>) target_semaphore(%dma_start3A_233 : memref<!tpu.dma_semaphore, #tpu.memory_space<semaphore_mem>>)
      %dma_wait3A_240 = arith.constant 0 : i32
      %dma_wait3A_241 = arith.constant 3 : i32
      %dma_wait3A_242 = arith.constant 3 : i32
      %dma_wait3A_243 = arith.constant 0 : i32
      %dma_wait3A_244 = arith.constant 0 : i32
      %dma_wait3A_245 = tpu.memref_slice %arg6[%dma_wait3A_241, %dma_wait3A_243, %dma_wait3A_244] : memref<8x128x64xf32, #tpu.memory_space<vmem>> -> memref<1x128x64xf32, #tpu.memory_space<vmem>>
      %dma_wait3A_246 = tpu.memref_squeeze %dma_wait3A_245 : memref<1x128x64xf32, #tpu.memory_space<vmem>> -> memref<128x64xf32, #tpu.memory_space<vmem>>
      %dma_wait3A_247 = arith.constant 0 : i32
      %dma_wait3A_248 = tpu.memref_slice %arg5[%dma_wait3A_240, %dma_wait3A_247] : memref<200x128xi32, #tpu.memory_space<vmem>> -> memref<1x128xi32, #tpu.memory_space<vmem>>
      %dma_wait3A_249 = tpu.memref_squeeze %dma_wait3A_248 : memref<1x128xi32, #tpu.memory_space<vmem>> -> memref<128xi32, #tpu.memory_space<vmem>>
      %dma_wait3A_250 = arith.constant 0 : i32
      %dma_wait3A_251 = arith.constant 0 : i32
      %dma_wait3A_252 = tpu.memref_slice %arg3[%dma_wait3A_250, %dma_wait3A_251] : memref<1000000x64xf32, #tpu.memory_space<hbm>> -> memref<1000000x64xf32, #tpu.memory_space<hbm>>
      %dma_wait3A_253 = tpu.memref_slice %arg7[%dma_wait3A_242] : memref<8x!tpu.dma_semaphore, #tpu.memory_space<semaphore_mem>> -> memref<1x!tpu.dma_semaphore, #tpu.memory_space<semaphore_mem>>
      %dma_wait3A_254 = tpu.memref_squeeze %dma_wait3A_253 : memref<1x!tpu.dma_semaphore, #tpu.memory_space<semaphore_mem>> -> memref<!tpu.dma_semaphore, #tpu.memory_space<semaphore_mem>>
      tpu.wait_indirect_dma semaphore(%dma_wait3A_254 : memref<!tpu.dma_semaphore, #tpu.memory_space<semaphore_mem>>) src(%dma_wait3A_252 : memref<1000000x64xf32, #tpu.memory_space<hbm>>) dst(%dma_wait3A_246 : memref<128x64xf32, #tpu.memory_space<vmem>>)
      %add3A_255 = arith.constant 3 : i32
      %add3A_256 = arith.addi %mul3A_132, %add3A_255 : i32
      %add3A_257 = arith.addi %mul3A_2, %add3A_256 : i32
      %mul3A_258 = arith.constant 128 : i32
      %mul3A_259 = arith.muli %add3A_257, %mul3A_258 : i32
      %dma_start3A_260 = arith.constant 3 : i32
      %dma_start3A_261 = arith.constant 3 : i32
      %dma_start3A_262 = arith.constant 0 : i32
      %dma_start3A_263 = arith.constant 0 : i32
      %dma_start3A_264 = tpu.memref_slice %arg6[%dma_start3A_260, %dma_start3A_262, %dma_start3A_263] : memref<8x128x64xf32, #tpu.memory_space<vmem>> -> memref<1x128x64xf32, #tpu.memory_space<vmem>>
      %dma_start3A_265 = tpu.memref_squeeze %dma_start3A_264 : memref<1x128x64xf32, #tpu.memory_space<vmem>> -> memref<128x64xf32, #tpu.memory_space<vmem>>
      %dma_start3A_266 = arith.constant 0 : i32
      %dma_start3A_267 = tpu.memref_slice %arg4[%mul3A_259, %dma_start3A_266] : memref<819200x64xf32, #tpu.memory_space<hbm>> -> memref<128x64xf32, #tpu.memory_space<hbm>>
      %dma_start3A_268 = tpu.memref_slice %arg8[%dma_start3A_261] : memref<8x!tpu.dma_semaphore, #tpu.memory_space<semaphore_mem>> -> memref<1x!tpu.dma_semaphore, #tpu.memory_space<semaphore_mem>>
      %dma_start3A_269 = tpu.memref_squeeze %dma_start3A_268 : memref<1x!tpu.dma_semaphore, #tpu.memory_space<semaphore_mem>> -> memref<!tpu.dma_semaphore, #tpu.memory_space<semaphore_mem>>
      %dma_start3A_270 = arith.constant 0 : i32
      %dma_start3A_271 = tpu.memref_slice %arg4[%mul3A_259, %dma_start3A_270] : memref<819200x64xf32, #tpu.memory_space<hbm>> -> memref<128x64xf32, #tpu.memory_space<hbm>>
      %dma_start3A_272 = arith.constant 0 : i32
      %dma_start3A_273 = arith.constant 0 : i32
      %dma_start3A_274 = tpu.memref_slice %arg6[%dma_start3A_260, %dma_start3A_272, %dma_start3A_273] : memref<8x128x64xf32, #tpu.memory_space<vmem>> -> memref<1x128x64xf32, #tpu.memory_space<vmem>>
      %dma_start3A_275 = tpu.memref_squeeze %dma_start3A_274 : memref<1x128x64xf32, #tpu.memory_space<vmem>> -> memref<128x64xf32, #tpu.memory_space<vmem>>
      tpu.enqueue_dma source(%dma_start3A_275 : memref<128x64xf32, #tpu.memory_space<vmem>>) target(%dma_start3A_271 : memref<128x64xf32, #tpu.memory_space<hbm>>) target_semaphore(%dma_start3A_269 : memref<!tpu.dma_semaphore, #tpu.memory_space<semaphore_mem>>)
      %dma_wait3A_276 = arith.constant 0 : i32
      %dma_wait3A_277 = arith.constant 4 : i32
      %dma_wait3A_278 = arith.constant 4 : i32
      %dma_wait3A_279 = arith.constant 0 : i32
      %dma_wait3A_280 = arith.constant 0 : i32
      %dma_wait3A_281 = tpu.memref_slice %arg6[%dma_wait3A_277, %dma_wait3A_279, %dma_wait3A_280] : memref<8x128x64xf32, #tpu.memory_space<vmem>> -> memref<1x128x64xf32, #tpu.memory_space<vmem>>
      %dma_wait3A_282 = tpu.memref_squeeze %dma_wait3A_281 : memref<1x128x64xf32, #tpu.memory_space<vmem>> -> memref<128x64xf32, #tpu.memory_space<vmem>>
      %dma_wait3A_283 = arith.constant 0 : i32
      %dma_wait3A_284 = tpu.memref_slice %arg5[%dma_wait3A_276, %dma_wait3A_283] : memref<200x128xi32, #tpu.memory_space<vmem>> -> memref<1x128xi32, #tpu.memory_space<vmem>>
      %dma_wait3A_285 = tpu.memref_squeeze %dma_wait3A_284 : memref<1x128xi32, #tpu.memory_space<vmem>> -> memref<128xi32, #tpu.memory_space<vmem>>
      %dma_wait3A_286 = arith.constant 0 : i32
      %dma_wait3A_287 = arith.constant 0 : i32
      %dma_wait3A_288 = tpu.memref_slice %arg3[%dma_wait3A_286, %dma_wait3A_287] : memref<1000000x64xf32, #tpu.memory_space<hbm>> -> memref<1000000x64xf32, #tpu.memory_space<hbm>>
      %dma_wait3A_289 = tpu.memref_slice %arg7[%dma_wait3A_278] : memref<8x!tpu.dma_semaphore, #tpu.memory_space<semaphore_mem>> -> memref<1x!tpu.dma_semaphore, #tpu.memory_space<semaphore_mem>>
      %dma_wait3A_290 = tpu.memref_squeeze %dma_wait3A_289 : memref<1x!tpu.dma_semaphore, #tpu.memory_space<semaphore_mem>> -> memref<!tpu.dma_semaphore, #tpu.memory_space<semaphore_mem>>
      tpu.wait_indirect_dma semaphore(%dma_wait3A_290 : memref<!tpu.dma_semaphore, #tpu.memory_space<semaphore_mem>>) src(%dma_wait3A_288 : memref<1000000x64xf32, #tpu.memory_space<hbm>>) dst(%dma_wait3A_282 : memref<128x64xf32, #tpu.memory_space<vmem>>)
      %add3A_291 = arith.constant 4 : i32
      %add3A_292 = arith.addi %mul3A_132, %add3A_291 : i32
      %add3A_293 = arith.addi %mul3A_2, %add3A_292 : i32
      %mul3A_294 = arith.constant 128 : i32
      %mul3A_295 = arith.muli %add3A_293, %mul3A_294 : i32
      %dma_start3A_296 = arith.constant 4 : i32
      %dma_start3A_297 = arith.constant 4 : i32
      %dma_start3A_298 = arith.constant 0 : i32
      %dma_start3A_299 = arith.constant 0 : i32
      %dma_start3A_300 = tpu.memref_slice %arg6[%dma_start3A_296, %dma_start3A_298, %dma_start3A_299] : memref<8x128x64xf32, #tpu.memory_space<vmem>> -> memref<1x128x64xf32, #tpu.memory_space<vmem>>
      %dma_start3A_301 = tpu.memref_squeeze %dma_start3A_300 : memref<1x128x64xf32, #tpu.memory_space<vmem>> -> memref<128x64xf32, #tpu.memory_space<vmem>>
      %dma_start3A_302 = arith.constant 0 : i32
      %dma_start3A_303 = tpu.memref_slice %arg4[%mul3A_295, %dma_start3A_302] : memref<819200x64xf32, #tpu.memory_space<hbm>> -> memref<128x64xf32, #tpu.memory_space<hbm>>
      %dma_start3A_304 = tpu.memref_slice %arg8[%dma_start3A_297] : memref<8x!tpu.dma_semaphore, #tpu.memory_space<semaphore_mem>> -> memref<1x!tpu.dma_semaphore, #tpu.memory_space<semaphore_mem>>
      %dma_start3A_305 = tpu.memref_squeeze %dma_start3A_304 : memref<1x!tpu.dma_semaphore, #tpu.memory_space<semaphore_mem>> -> memref<!tpu.dma_semaphore, #tpu.memory_space<semaphore_mem>>
      %dma_start3A_306 = arith.constant 0 : i32
      %dma_start3A_307 = tpu.memref_slice %arg4[%mul3A_295, %dma_start3A_306] : memref<819200x64xf32, #tpu.memory_space<hbm>> -> memref<128x64xf32, #tpu.memory_space<hbm>>
      %dma_start3A_308 = arith.constant 0 : i32
      %dma_start3A_309 = arith.constant 0 : i32
      %dma_start3A_310 = tpu.memref_slice %arg6[%dma_start3A_296, %dma_start3A_308, %dma_start3A_309] : memref<8x128x64xf32, #tpu.memory_space<vmem>> -> memref<1x128x64xf32, #tpu.memory_space<vmem>>
      %dma_start3A_311 = tpu.memref_squeeze %dma_start3A_310 : memref<1x128x64xf32, #tpu.memory_space<vmem>> -> memref<128x64xf32, #tpu.memory_space<vmem>>
      tpu.enqueue_dma source(%dma_start3A_311 : memref<128x64xf32, #tpu.memory_space<vmem>>) target(%dma_start3A_307 : memref<128x64xf32, #tpu.memory_space<hbm>>) target_semaphore(%dma_start3A_305 : memref<!tpu.dma_semaphore, #tpu.memory_space<semaphore_mem>>)
      %dma_wait3A_312 = arith.constant 0 : i32
      %dma_wait3A_313 = arith.constant 5 : i32
      %dma_wait3A_314 = arith.constant 5 : i32
      %dma_wait3A_315 = arith.constant 0 : i32
      %dma_wait3A_316 = arith.constant 0 : i32
      %dma_wait3A_317 = tpu.memref_slice %arg6[%dma_wait3A_313, %dma_wait3A_315, %dma_wait3A_316] : memref<8x128x64xf32, #tpu.memory_space<vmem>> -> memref<1x128x64xf32, #tpu.memory_space<vmem>>
      %dma_wait3A_318 = tpu.memref_squeeze %dma_wait3A_317 : memref<1x128x64xf32, #tpu.memory_space<vmem>> -> memref<128x64xf32, #tpu.memory_space<vmem>>
      %dma_wait3A_319 = arith.constant 0 : i32
      %dma_wait3A_320 = tpu.memref_slice %arg5[%dma_wait3A_312, %dma_wait3A_319] : memref<200x128xi32, #tpu.memory_space<vmem>> -> memref<1x128xi32, #tpu.memory_space<vmem>>
      %dma_wait3A_321 = tpu.memref_squeeze %dma_wait3A_320 : memref<1x128xi32, #tpu.memory_space<vmem>> -> memref<128xi32, #tpu.memory_space<vmem>>
      %dma_wait3A_322 = arith.constant 0 : i32
      %dma_wait3A_323 = arith.constant 0 : i32
      %dma_wait3A_324 = tpu.memref_slice %arg3[%dma_wait3A_322, %dma_wait3A_323] : memref<1000000x64xf32, #tpu.memory_space<hbm>> -> memref<1000000x64xf32, #tpu.memory_space<hbm>>
      %dma_wait3A_325 = tpu.memref_slice %arg7[%dma_wait3A_314] : memref<8x!tpu.dma_semaphore, #tpu.memory_space<semaphore_mem>> -> memref<1x!tpu.dma_semaphore, #tpu.memory_space<semaphore_mem>>
      %dma_wait3A_326 = tpu.memref_squeeze %dma_wait3A_325 : memref<1x!tpu.dma_semaphore, #tpu.memory_space<semaphore_mem>> -> memref<!tpu.dma_semaphore, #tpu.memory_space<semaphore_mem>>
      tpu.wait_indirect_dma semaphore(%dma_wait3A_326 : memref<!tpu.dma_semaphore, #tpu.memory_space<semaphore_mem>>) src(%dma_wait3A_324 : memref<1000000x64xf32, #tpu.memory_space<hbm>>) dst(%dma_wait3A_318 : memref<128x64xf32, #tpu.memory_space<vmem>>)
      %add3A_327 = arith.constant 5 : i32
      %add3A_328 = arith.addi %mul3A_132, %add3A_327 : i32
      %add3A_329 = arith.addi %mul3A_2, %add3A_328 : i32
      %mul3A_330 = arith.constant 128 : i32
      %mul3A_331 = arith.muli %add3A_329, %mul3A_330 : i32
      %dma_start3A_332 = arith.constant 5 : i32
      %dma_start3A_333 = arith.constant 5 : i32
      %dma_start3A_334 = arith.constant 0 : i32
      %dma_start3A_335 = arith.constant 0 : i32
      %dma_start3A_336 = tpu.memref_slice %arg6[%dma_start3A_332, %dma_start3A_334, %dma_start3A_335] : memref<8x128x64xf32, #tpu.memory_space<vmem>> -> memref<1x128x64xf32, #tpu.memory_space<vmem>>
      %dma_start3A_337 = tpu.memref_squeeze %dma_start3A_336 : memref<1x128x64xf32, #tpu.memory_space<vmem>> -> memref<128x64xf32, #tpu.memory_space<vmem>>
      %dma_start3A_338 = arith.constant 0 : i32
      %dma_start3A_339 = tpu.memref_slice %arg4[%mul3A_331, %dma_start3A_338] : memref<819200x64xf32, #tpu.memory_space<hbm>> -> memref<128x64xf32, #tpu.memory_space<hbm>>
      %dma_start3A_340 = tpu.memref_slice %arg8[%dma_start3A_333] : memref<8x!tpu.dma_semaphore, #tpu.memory_space<semaphore_mem>> -> memref<1x!tpu.dma_semaphore, #tpu.memory_space<semaphore_mem>>
      %dma_start3A_341 = tpu.memref_squeeze %dma_start3A_340 : memref<1x!tpu.dma_semaphore, #tpu.memory_space<semaphore_mem>> -> memref<!tpu.dma_semaphore, #tpu.memory_space<semaphore_mem>>
      %dma_start3A_342 = arith.constant 0 : i32
      %dma_start3A_343 = tpu.memref_slice %arg4[%mul3A_331, %dma_start3A_342] : memref<819200x64xf32, #tpu.memory_space<hbm>> -> memref<128x64xf32, #tpu.memory_space<hbm>>
      %dma_start3A_344 = arith.constant 0 : i32
      %dma_start3A_345 = arith.constant 0 : i32
      %dma_start3A_346 = tpu.memref_slice %arg6[%dma_start3A_332, %dma_start3A_344, %dma_start3A_345] : memref<8x128x64xf32, #tpu.memory_space<vmem>> -> memref<1x128x64xf32, #tpu.memory_space<vmem>>
      %dma_start3A_347 = tpu.memref_squeeze %dma_start3A_346 : memref<1x128x64xf32, #tpu.memory_space<vmem>> -> memref<128x64xf32, #tpu.memory_space<vmem>>
      tpu.enqueue_dma source(%dma_start3A_347 : memref<128x64xf32, #tpu.memory_space<vmem>>) target(%dma_start3A_343 : memref<128x64xf32, #tpu.memory_space<hbm>>) target_semaphore(%dma_start3A_341 : memref<!tpu.dma_semaphore, #tpu.memory_space<semaphore_mem>>)
      %dma_wait3A_348 = arith.constant 0 : i32
      %dma_wait3A_349 = arith.constant 6 : i32
      %dma_wait3A_350 = arith.constant 6 : i32
      %dma_wait3A_351 = arith.constant 0 : i32
      %dma_wait3A_352 = arith.constant 0 : i32
      %dma_wait3A_353 = tpu.memref_slice %arg6[%dma_wait3A_349, %dma_wait3A_351, %dma_wait3A_352] : memref<8x128x64xf32, #tpu.memory_space<vmem>> -> memref<1x128x64xf32, #tpu.memory_space<vmem>>
      %dma_wait3A_354 = tpu.memref_squeeze %dma_wait3A_353 : memref<1x128x64xf32, #tpu.memory_space<vmem>> -> memref<128x64xf32, #tpu.memory_space<vmem>>
      %dma_wait3A_355 = arith.constant 0 : i32
      %dma_wait3A_356 = tpu.memref_slice %arg5[%dma_wait3A_348, %dma_wait3A_355] : memref<200x128xi32, #tpu.memory_space<vmem>> -> memref<1x128xi32, #tpu.memory_space<vmem>>
      %dma_wait3A_357 = tpu.memref_squeeze %dma_wait3A_356 : memref<1x128xi32, #tpu.memory_space<vmem>> -> memref<128xi32, #tpu.memory_space<vmem>>
      %dma_wait3A_358 = arith.constant 0 : i32
      %dma_wait3A_359 = arith.constant 0 : i32
      %dma_wait3A_360 = tpu.memref_slice %arg3[%dma_wait3A_358, %dma_wait3A_359] : memref<1000000x64xf32, #tpu.memory_space<hbm>> -> memref<1000000x64xf32, #tpu.memory_space<hbm>>
      %dma_wait3A_361 = tpu.memref_slice %arg7[%dma_wait3A_350] : memref<8x!tpu.dma_semaphore, #tpu.memory_space<semaphore_mem>> -> memref<1x!tpu.dma_semaphore, #tpu.memory_space<semaphore_mem>>
      %dma_wait3A_362 = tpu.memref_squeeze %dma_wait3A_361 : memref<1x!tpu.dma_semaphore, #tpu.memory_space<semaphore_mem>> -> memref<!tpu.dma_semaphore, #tpu.memory_space<semaphore_mem>>
      tpu.wait_indirect_dma semaphore(%dma_wait3A_362 : memref<!tpu.dma_semaphore, #tpu.memory_space<semaphore_mem>>) src(%dma_wait3A_360 : memref<1000000x64xf32, #tpu.memory_space<hbm>>) dst(%dma_wait3A_354 : memref<128x64xf32, #tpu.memory_space<vmem>>)
      %add3A_363 = arith.constant 6 : i32
      %add3A_364 = arith.addi %mul3A_132, %add3A_363 : i32
      %add3A_365 = arith.addi %mul3A_2, %add3A_364 : i32
      %mul3A_366 = arith.constant 128 : i32
      %mul3A_367 = arith.muli %add3A_365, %mul3A_366 : i32
      %dma_start3A_368 = arith.constant 6 : i32
      %dma_start3A_369 = arith.constant 6 : i32
      %dma_start3A_370 = arith.constant 0 : i32
      %dma_start3A_371 = arith.constant 0 : i32
      %dma_start3A_372 = tpu.memref_slice %arg6[%dma_start3A_368, %dma_start3A_370, %dma_start3A_371] : memref<8x128x64xf32, #tpu.memory_space<vmem>> -> memref<1x128x64xf32, #tpu.memory_space<vmem>>
      %dma_start3A_373 = tpu.memref_squeeze %dma_start3A_372 : memref<1x128x64xf32, #tpu.memory_space<vmem>> -> memref<128x64xf32, #tpu.memory_space<vmem>>
      %dma_start3A_374 = arith.constant 0 : i32
      %dma_start3A_375 = tpu.memref_slice %arg4[%mul3A_367, %dma_start3A_374] : memref<819200x64xf32, #tpu.memory_space<hbm>> -> memref<128x64xf32, #tpu.memory_space<hbm>>
      %dma_start3A_376 = tpu.memref_slice %arg8[%dma_start3A_369] : memref<8x!tpu.dma_semaphore, #tpu.memory_space<semaphore_mem>> -> memref<1x!tpu.dma_semaphore, #tpu.memory_space<semaphore_mem>>
      %dma_start3A_377 = tpu.memref_squeeze %dma_start3A_376 : memref<1x!tpu.dma_semaphore, #tpu.memory_space<semaphore_mem>> -> memref<!tpu.dma_semaphore, #tpu.memory_space<semaphore_mem>>
      %dma_start3A_378 = arith.constant 0 : i32
      %dma_start3A_379 = tpu.memref_slice %arg4[%mul3A_367, %dma_start3A_378] : memref<819200x64xf32, #tpu.memory_space<hbm>> -> memref<128x64xf32, #tpu.memory_space<hbm>>
      %dma_start3A_380 = arith.constant 0 : i32
      %dma_start3A_381 = arith.constant 0 : i32
      %dma_start3A_382 = tpu.memref_slice %arg6[%dma_start3A_368, %dma_start3A_380, %dma_start3A_381] : memref<8x128x64xf32, #tpu.memory_space<vmem>> -> memref<1x128x64xf32, #tpu.memory_space<vmem>>
      %dma_start3A_383 = tpu.memref_squeeze %dma_start3A_382 : memref<1x128x64xf32, #tpu.memory_space<vmem>> -> memref<128x64xf32, #tpu.memory_space<vmem>>
      tpu.enqueue_dma source(%dma_start3A_383 : memref<128x64xf32, #tpu.memory_space<vmem>>) target(%dma_start3A_379 : memref<128x64xf32, #tpu.memory_space<hbm>>) target_semaphore(%dma_start3A_377 : memref<!tpu.dma_semaphore, #tpu.memory_space<semaphore_mem>>)
      %dma_wait3A_384 = arith.constant 0 : i32
      %dma_wait3A_385 = arith.constant 7 : i32
      %dma_wait3A_386 = arith.constant 7 : i32
      %dma_wait3A_387 = arith.constant 0 : i32
      %dma_wait3A_388 = arith.constant 0 : i32
      %dma_wait3A_389 = tpu.memref_slice %arg6[%dma_wait3A_385, %dma_wait3A_387, %dma_wait3A_388] : memref<8x128x64xf32, #tpu.memory_space<vmem>> -> memref<1x128x64xf32, #tpu.memory_space<vmem>>
      %dma_wait3A_390 = tpu.memref_squeeze %dma_wait3A_389 : memref<1x128x64xf32, #tpu.memory_space<vmem>> -> memref<128x64xf32, #tpu.memory_space<vmem>>
      %dma_wait3A_391 = arith.constant 0 : i32
      %dma_wait3A_392 = tpu.memref_slice %arg5[%dma_wait3A_384, %dma_wait3A_391] : memref<200x128xi32, #tpu.memory_space<vmem>> -> memref<1x128xi32, #tpu.memory_space<vmem>>
      %dma_wait3A_393 = tpu.memref_squeeze %dma_wait3A_392 : memref<1x128xi32, #tpu.memory_space<vmem>> -> memref<128xi32, #tpu.memory_space<vmem>>
      %dma_wait3A_394 = arith.constant 0 : i32
      %dma_wait3A_395 = arith.constant 0 : i32
      %dma_wait3A_396 = tpu.memref_slice %arg3[%dma_wait3A_394, %dma_wait3A_395] : memref<1000000x64xf32, #tpu.memory_space<hbm>> -> memref<1000000x64xf32, #tpu.memory_space<hbm>>
      %dma_wait3A_397 = tpu.memref_slice %arg7[%dma_wait3A_386] : memref<8x!tpu.dma_semaphore, #tpu.memory_space<semaphore_mem>> -> memref<1x!tpu.dma_semaphore, #tpu.memory_space<semaphore_mem>>
      %dma_wait3A_398 = tpu.memref_squeeze %dma_wait3A_397 : memref<1x!tpu.dma_semaphore, #tpu.memory_space<semaphore_mem>> -> memref<!tpu.dma_semaphore, #tpu.memory_space<semaphore_mem>>
      tpu.wait_indirect_dma semaphore(%dma_wait3A_398 : memref<!tpu.dma_semaphore, #tpu.memory_space<semaphore_mem>>) src(%dma_wait3A_396 : memref<1000000x64xf32, #tpu.memory_space<hbm>>) dst(%dma_wait3A_390 : memref<128x64xf32, #tpu.memory_space<vmem>>)
      %add3A_399 = arith.constant 7 : i32
      %add3A_400 = arith.addi %mul3A_132, %add3A_399 : i32
      %add3A_401 = arith.addi %mul3A_2, %add3A_400 : i32
      %mul3A_402 = arith.constant 128 : i32
      %mul3A_403 = arith.muli %add3A_401, %mul3A_402 : i32
      %dma_start3A_404 = arith.constant 7 : i32
      %dma_start3A_405 = arith.constant 7 : i32
      %dma_start3A_406 = arith.constant 0 : i32
      %dma_start3A_407 = arith.constant 0 : i32
      %dma_start3A_408 = tpu.memref_slice %arg6[%dma_start3A_404, %dma_start3A_406, %dma_start3A_407] : memref<8x128x64xf32, #tpu.memory_space<vmem>> -> memref<1x128x64xf32, #tpu.memory_space<vmem>>
      %dma_start3A_409 = tpu.memref_squeeze %dma_start3A_408 : memref<1x128x64xf32, #tpu.memory_space<vmem>> -> memref<128x64xf32, #tpu.memory_space<vmem>>
      %dma_start3A_410 = arith.constant 0 : i32
      %dma_start3A_411 = tpu.memref_slice %arg4[%mul3A_403, %dma_start3A_410] : memref<819200x64xf32, #tpu.memory_space<hbm>> -> memref<128x64xf32, #tpu.memory_space<hbm>>
      %dma_start3A_412 = tpu.memref_slice %arg8[%dma_start3A_405] : memref<8x!tpu.dma_semaphore, #tpu.memory_space<semaphore_mem>> -> memref<1x!tpu.dma_semaphore, #tpu.memory_space<semaphore_mem>>
      %dma_start3A_413 = tpu.memref_squeeze %dma_start3A_412 : memref<1x!tpu.dma_semaphore, #tpu.memory_space<semaphore_mem>> -> memref<!tpu.dma_semaphore, #tpu.memory_space<semaphore_mem>>
      %dma_start3A_414 = arith.constant 0 : i32
      %dma_start3A_415 = tpu.memref_slice %arg4[%mul3A_403, %dma_start3A_414] : memref<819200x64xf32, #tpu.memory_space<hbm>> -> memref<128x64xf32, #tpu.memory_space<hbm>>
      %dma_start3A_416 = arith.constant 0 : i32
      %dma_start3A_417 = arith.constant 0 : i32
      %dma_start3A_418 = tpu.memref_slice %arg6[%dma_start3A_404, %dma_start3A_416, %dma_start3A_417] : memref<8x128x64xf32, #tpu.memory_space<vmem>> -> memref<1x128x64xf32, #tpu.memory_space<vmem>>
      %dma_start3A_419 = tpu.memref_squeeze %dma_start3A_418 : memref<1x128x64xf32, #tpu.memory_space<vmem>> -> memref<128x64xf32, #tpu.memory_space<vmem>>
      tpu.enqueue_dma source(%dma_start3A_419 : memref<128x64xf32, #tpu.memory_space<vmem>>) target(%dma_start3A_415 : memref<128x64xf32, #tpu.memory_space<hbm>>) target_semaphore(%dma_start3A_413 : memref<!tpu.dma_semaphore, #tpu.memory_space<semaphore_mem>>)
      %dma_wait3A_420 = arith.constant 0 : i32
      %dma_wait3A_421 = arith.constant 0 : i32
      %dma_wait3A_422 = arith.constant 0 : i32
      %dma_wait3A_423 = arith.constant 0 : i32
      %dma_wait3A_424 = tpu.memref_slice %arg6[%dma_wait3A_420, %dma_wait3A_422, %dma_wait3A_423] : memref<8x128x64xf32, #tpu.memory_space<vmem>> -> memref<1x128x64xf32, #tpu.memory_space<vmem>>
      %dma_wait3A_425 = tpu.memref_squeeze %dma_wait3A_424 : memref<1x128x64xf32, #tpu.memory_space<vmem>> -> memref<128x64xf32, #tpu.memory_space<vmem>>
      %dma_wait3A_426 = arith.constant 0 : i32
      %dma_wait3A_427 = arith.constant 0 : i32
      %dma_wait3A_428 = tpu.memref_slice %arg4[%dma_wait3A_426, %dma_wait3A_427] : memref<819200x64xf32, #tpu.memory_space<hbm>> -> memref<128x64xf32, #tpu.memory_space<hbm>>
      %dma_wait3A_429 = tpu.memref_slice %arg8[%dma_wait3A_421] : memref<8x!tpu.dma_semaphore, #tpu.memory_space<semaphore_mem>> -> memref<1x!tpu.dma_semaphore, #tpu.memory_space<semaphore_mem>>
      %dma_wait3A_430 = tpu.memref_squeeze %dma_wait3A_429 : memref<1x!tpu.dma_semaphore, #tpu.memory_space<semaphore_mem>> -> memref<!tpu.dma_semaphore, #tpu.memory_space<semaphore_mem>>
      %dma_wait3A_431 = arith.constant 0 : i32
      %dma_wait3A_432 = arith.constant 0 : i32
      %dma_wait3A_433 = tpu.memref_slice %arg4[%dma_wait3A_431, %dma_wait3A_432] : memref<819200x64xf32, #tpu.memory_space<hbm>> -> memref<128x64xf32, #tpu.memory_space<hbm>>
      %dma_wait3A_434 = arith.constant 0 : i32
      %dma_wait3A_435 = arith.constant 0 : i32
      %dma_wait3A_436 = tpu.memref_slice %arg6[%dma_wait3A_420, %dma_wait3A_434, %dma_wait3A_435] : memref<8x128x64xf32, #tpu.memory_space<vmem>> -> memref<1x128x64xf32, #tpu.memory_space<vmem>>
      %dma_wait3A_437 = tpu.memref_squeeze %dma_wait3A_436 : memref<1x128x64xf32, #tpu.memory_space<vmem>> -> memref<128x64xf32, #tpu.memory_space<vmem>>
      tpu.wait_dma2 semaphore(%dma_wait3A_430 : memref<!tpu.dma_semaphore, #tpu.memory_space<semaphore_mem>>) src(%dma_wait3A_437 : memref<128x64xf32, #tpu.memory_space<vmem>>) dst(%dma_wait3A_433 : memref<128x64xf32, #tpu.memory_space<hbm>>)
      %lt3A = arith.constant 24 : i32
      %lt3A_438 = arith.cmpi slt, %add3A_130, %lt3A : i32
      %convert_element_type3A = arith.extui %lt3A_438 : i1 to i32
      %cond3A = arith.constant 0 : i32
      %cond3A_439 = arith.cmpi ne, %convert_element_type3A, %cond3A : i32
      scf.if %cond3A_439 {
        %add3A_601 = arith.constant 8 : i32
        %add3A_602 = arith.addi %mul3A_132, %add3A_601 : i32
        %add3A_603 = arith.constant 0 : i32
        %add3A_604 = arith.addi %add3A_602, %add3A_603 : i32
        %dma_start3A_605 = arith.constant 0 : i32
        %dma_start3A_606 = arith.constant 0 : i32
        %dma_start3A_607 = arith.constant 0 : i32
        %dma_start3A_608 = arith.constant 0 : i32
        %dma_start3A_609 = tpu.memref_slice %arg6[%dma_start3A_605, %dma_start3A_607, %dma_start3A_608] : memref<8x128x64xf32, #tpu.memory_space<vmem>> -> memref<1x128x64xf32, #tpu.memory_space<vmem>>
        %dma_start3A_610 = tpu.memref_squeeze %dma_start3A_609 : memref<1x128x64xf32, #tpu.memory_space<vmem>> -> memref<128x64xf32, #tpu.memory_space<vmem>>
        %dma_start3A_611 = arith.constant 0 : i32
        %dma_start3A_612 = tpu.memref_slice %arg5[%add3A_604, %dma_start3A_611] : memref<200x128xi32, #tpu.memory_space<vmem>> -> memref<1x128xi32, #tpu.memory_space<vmem>>
        %dma_start3A_613 = tpu.memref_squeeze %dma_start3A_612 : memref<1x128xi32, #tpu.memory_space<vmem>> -> memref<128xi32, #tpu.memory_space<vmem>>
        %dma_start3A_614 = arith.constant 0 : i32
        %dma_start3A_615 = arith.constant 0 : i32
        %dma_start3A_616 = tpu.memref_slice %arg3[%dma_start3A_614, %dma_start3A_615] : memref<1000000x64xf32, #tpu.memory_space<hbm>> -> memref<1000000x64xf32, #tpu.memory_space<hbm>>
        %dma_start3A_617 = tpu.memref_slice %arg7[%dma_start3A_606] : memref<8x!tpu.dma_semaphore, #tpu.memory_space<semaphore_mem>> -> memref<1x!tpu.dma_semaphore, #tpu.memory_space<semaphore_mem>>
        %dma_start3A_618 = tpu.memref_squeeze %dma_start3A_617 : memref<1x!tpu.dma_semaphore, #tpu.memory_space<semaphore_mem>> -> memref<!tpu.dma_semaphore, #tpu.memory_space<semaphore_mem>>
        tpu.enqueue_indirect_dma source(%dma_start3A_616 : memref<1000000x64xf32, #tpu.memory_space<hbm>>) target(%dma_start3A_610 : memref<128x64xf32, #tpu.memory_space<vmem>>) offsets(%dma_start3A_613 : memref<128xi32, #tpu.memory_space<vmem>>) semaphore(%dma_start3A_618 : memref<!tpu.dma_semaphore, #tpu.memory_space<semaphore_mem>>)
      } else {
      }
      %dma_wait3A_440 = arith.constant 1 : i32
      %dma_wait3A_441 = arith.constant 1 : i32
      %dma_wait3A_442 = arith.constant 0 : i32
      %dma_wait3A_443 = arith.constant 0 : i32
      %dma_wait3A_444 = tpu.memref_slice %arg6[%dma_wait3A_440, %dma_wait3A_442, %dma_wait3A_443] : memref<8x128x64xf32, #tpu.memory_space<vmem>> -> memref<1x128x64xf32, #tpu.memory_space<vmem>>
      %dma_wait3A_445 = tpu.memref_squeeze %dma_wait3A_444 : memref<1x128x64xf32, #tpu.memory_space<vmem>> -> memref<128x64xf32, #tpu.memory_space<vmem>>
      %dma_wait3A_446 = arith.constant 0 : i32
      %dma_wait3A_447 = arith.constant 0 : i32
      %dma_wait3A_448 = tpu.memref_slice %arg4[%dma_wait3A_446, %dma_wait3A_447] : memref<819200x64xf32, #tpu.memory_space<hbm>> -> memref<128x64xf32, #tpu.memory_space<hbm>>
      %dma_wait3A_449 = tpu.memref_slice %arg8[%dma_wait3A_441] : memref<8x!tpu.dma_semaphore, #tpu.memory_space<semaphore_mem>> -> memref<1x!tpu.dma_semaphore, #tpu.memory_space<semaphore_mem>>
      %dma_wait3A_450 = tpu.memref_squeeze %dma_wait3A_449 : memref<1x!tpu.dma_semaphore, #tpu.memory_space<semaphore_mem>> -> memref<!tpu.dma_semaphore, #tpu.memory_space<semaphore_mem>>
      %dma_wait3A_451 = arith.constant 0 : i32
      %dma_wait3A_452 = arith.constant 0 : i32
      %dma_wait3A_453 = tpu.memref_slice %arg4[%dma_wait3A_451, %dma_wait3A_452] : memref<819200x64xf32, #tpu.memory_space<hbm>> -> memref<128x64xf32, #tpu.memory_space<hbm>>
      %dma_wait3A_454 = arith.constant 0 : i32
      %dma_wait3A_455 = arith.constant 0 : i32
      %dma_wait3A_456 = tpu.memref_slice %arg6[%dma_wait3A_440, %dma_wait3A_454, %dma_wait3A_455] : memref<8x128x64xf32, #tpu.memory_space<vmem>> -> memref<1x128x64xf32, #tpu.memory_space<vmem>>
      %dma_wait3A_457 = tpu.memref_squeeze %dma_wait3A_456 : memref<1x128x64xf32, #tpu.memory_space<vmem>> -> memref<128x64xf32, #tpu.memory_space<vmem>>
      tpu.wait_dma2 semaphore(%dma_wait3A_450 : memref<!tpu.dma_semaphore, #tpu.memory_space<semaphore_mem>>) src(%dma_wait3A_457 : memref<128x64xf32, #tpu.memory_space<vmem>>) dst(%dma_wait3A_453 : memref<128x64xf32, #tpu.memory_space<hbm>>)
      %lt3A_458 = arith.constant 24 : i32
      %lt3A_459 = arith.cmpi slt, %add3A_130, %lt3A_458 : i32
      %convert_element_type3A_460 = arith.extui %lt3A_459 : i1 to i32
      %cond3A_461 = arith.constant 0 : i32
      %cond3A_462 = arith.cmpi ne, %convert_element_type3A_460, %cond3A_461 : i32
      scf.if %cond3A_462 {
        %add3A_601 = arith.constant 8 : i32
        %add3A_602 = arith.addi %mul3A_132, %add3A_601 : i32
        %add3A_603 = arith.constant 1 : i32
        %add3A_604 = arith.addi %add3A_602, %add3A_603 : i32
        %dma_start3A_605 = arith.constant 1 : i32
        %dma_start3A_606 = arith.constant 1 : i32
        %dma_start3A_607 = arith.constant 0 : i32
        %dma_start3A_608 = arith.constant 0 : i32
        %dma_start3A_609 = tpu.memref_slice %arg6[%dma_start3A_605, %dma_start3A_607, %dma_start3A_608] : memref<8x128x64xf32, #tpu.memory_space<vmem>> -> memref<1x128x64xf32, #tpu.memory_space<vmem>>
        %dma_start3A_610 = tpu.memref_squeeze %dma_start3A_609 : memref<1x128x64xf32, #tpu.memory_space<vmem>> -> memref<128x64xf32, #tpu.memory_space<vmem>>
        %dma_start3A_611 = arith.constant 0 : i32
        %dma_start3A_612 = tpu.memref_slice %arg5[%add3A_604, %dma_start3A_611] : memref<200x128xi32, #tpu.memory_space<vmem>> -> memref<1x128xi32, #tpu.memory_space<vmem>>
        %dma_start3A_613 = tpu.memref_squeeze %dma_start3A_612 : memref<1x128xi32, #tpu.memory_space<vmem>> -> memref<128xi32, #tpu.memory_space<vmem>>
        %dma_start3A_614 = arith.constant 0 : i32
        %dma_start3A_615 = arith.constant 0 : i32
        %dma_start3A_616 = tpu.memref_slice %arg3[%dma_start3A_614, %dma_start3A_615] : memref<1000000x64xf32, #tpu.memory_space<hbm>> -> memref<1000000x64xf32, #tpu.memory_space<hbm>>
        %dma_start3A_617 = tpu.memref_slice %arg7[%dma_start3A_606] : memref<8x!tpu.dma_semaphore, #tpu.memory_space<semaphore_mem>> -> memref<1x!tpu.dma_semaphore, #tpu.memory_space<semaphore_mem>>
        %dma_start3A_618 = tpu.memref_squeeze %dma_start3A_617 : memref<1x!tpu.dma_semaphore, #tpu.memory_space<semaphore_mem>> -> memref<!tpu.dma_semaphore, #tpu.memory_space<semaphore_mem>>
        tpu.enqueue_indirect_dma source(%dma_start3A_616 : memref<1000000x64xf32, #tpu.memory_space<hbm>>) target(%dma_start3A_610 : memref<128x64xf32, #tpu.memory_space<vmem>>) offsets(%dma_start3A_613 : memref<128xi32, #tpu.memory_space<vmem>>) semaphore(%dma_start3A_618 : memref<!tpu.dma_semaphore, #tpu.memory_space<semaphore_mem>>)
      } else {
      }
      %dma_wait3A_463 = arith.constant 2 : i32
      %dma_wait3A_464 = arith.constant 2 : i32
      %dma_wait3A_465 = arith.constant 0 : i32
      %dma_wait3A_466 = arith.constant 0 : i32
      %dma_wait3A_467 = tpu.memref_slice %arg6[%dma_wait3A_463, %dma_wait3A_465, %dma_wait3A_466] : memref<8x128x64xf32, #tpu.memory_space<vmem>> -> memref<1x128x64xf32, #tpu.memory_space<vmem>>
      %dma_wait3A_468 = tpu.memref_squeeze %dma_wait3A_467 : memref<1x128x64xf32, #tpu.memory_space<vmem>> -> memref<128x64xf32, #tpu.memory_space<vmem>>
      %dma_wait3A_469 = arith.constant 0 : i32
      %dma_wait3A_470 = arith.constant 0 : i32
      %dma_wait3A_471 = tpu.memref_slice %arg4[%dma_wait3A_469, %dma_wait3A_470] : memref<819200x64xf32, #tpu.memory_space<hbm>> -> memref<128x64xf32, #tpu.memory_space<hbm>>
      %dma_wait3A_472 = tpu.memref_slice %arg8[%dma_wait3A_464] : memref<8x!tpu.dma_semaphore, #tpu.memory_space<semaphore_mem>> -> memref<1x!tpu.dma_semaphore, #tpu.memory_space<semaphore_mem>>
      %dma_wait3A_473 = tpu.memref_squeeze %dma_wait3A_472 : memref<1x!tpu.dma_semaphore, #tpu.memory_space<semaphore_mem>> -> memref<!tpu.dma_semaphore, #tpu.memory_space<semaphore_mem>>
      %dma_wait3A_474 = arith.constant 0 : i32
      %dma_wait3A_475 = arith.constant 0 : i32
      %dma_wait3A_476 = tpu.memref_slice %arg4[%dma_wait3A_474, %dma_wait3A_475] : memref<819200x64xf32, #tpu.memory_space<hbm>> -> memref<128x64xf32, #tpu.memory_space<hbm>>
      %dma_wait3A_477 = arith.constant 0 : i32
      %dma_wait3A_478 = arith.constant 0 : i32
      %dma_wait3A_479 = tpu.memref_slice %arg6[%dma_wait3A_463, %dma_wait3A_477, %dma_wait3A_478] : memref<8x128x64xf32, #tpu.memory_space<vmem>> -> memref<1x128x64xf32, #tpu.memory_space<vmem>>
      %dma_wait3A_480 = tpu.memref_squeeze %dma_wait3A_479 : memref<1x128x64xf32, #tpu.memory_space<vmem>> -> memref<128x64xf32, #tpu.memory_space<vmem>>
      tpu.wait_dma2 semaphore(%dma_wait3A_473 : memref<!tpu.dma_semaphore, #tpu.memory_space<semaphore_mem>>) src(%dma_wait3A_480 : memref<128x64xf32, #tpu.memory_space<vmem>>) dst(%dma_wait3A_476 : memref<128x64xf32, #tpu.memory_space<hbm>>)
      %lt3A_481 = arith.constant 24 : i32
      %lt3A_482 = arith.cmpi slt, %add3A_130, %lt3A_481 : i32
      %convert_element_type3A_483 = arith.extui %lt3A_482 : i1 to i32
      %cond3A_484 = arith.constant 0 : i32
      %cond3A_485 = arith.cmpi ne, %convert_element_type3A_483, %cond3A_484 : i32
      scf.if %cond3A_485 {
        %add3A_601 = arith.constant 8 : i32
        %add3A_602 = arith.addi %mul3A_132, %add3A_601 : i32
        %add3A_603 = arith.constant 2 : i32
        %add3A_604 = arith.addi %add3A_602, %add3A_603 : i32
        %dma_start3A_605 = arith.constant 2 : i32
        %dma_start3A_606 = arith.constant 2 : i32
        %dma_start3A_607 = arith.constant 0 : i32
        %dma_start3A_608 = arith.constant 0 : i32
        %dma_start3A_609 = tpu.memref_slice %arg6[%dma_start3A_605, %dma_start3A_607, %dma_start3A_608] : memref<8x128x64xf32, #tpu.memory_space<vmem>> -> memref<1x128x64xf32, #tpu.memory_space<vmem>>
        %dma_start3A_610 = tpu.memref_squeeze %dma_start3A_609 : memref<1x128x64xf32, #tpu.memory_space<vmem>> -> memref<128x64xf32, #tpu.memory_space<vmem>>
        %dma_start3A_611 = arith.constant 0 : i32
        %dma_start3A_612 = tpu.memref_slice %arg5[%add3A_604, %dma_start3A_611] : memref<200x128xi32, #tpu.memory_space<vmem>> -> memref<1x128xi32, #tpu.memory_space<vmem>>
        %dma_start3A_613 = tpu.memref_squeeze %dma_start3A_612 : memref<1x128xi32, #tpu.memory_space<vmem>> -> memref<128xi32, #tpu.memory_space<vmem>>
        %dma_start3A_614 = arith.constant 0 : i32
        %dma_start3A_615 = arith.constant 0 : i32
        %dma_start3A_616 = tpu.memref_slice %arg3[%dma_start3A_614, %dma_start3A_615] : memref<1000000x64xf32, #tpu.memory_space<hbm>> -> memref<1000000x64xf32, #tpu.memory_space<hbm>>
        %dma_start3A_617 = tpu.memref_slice %arg7[%dma_start3A_606] : memref<8x!tpu.dma_semaphore, #tpu.memory_space<semaphore_mem>> -> memref<1x!tpu.dma_semaphore, #tpu.memory_space<semaphore_mem>>
        %dma_start3A_618 = tpu.memref_squeeze %dma_start3A_617 : memref<1x!tpu.dma_semaphore, #tpu.memory_space<semaphore_mem>> -> memref<!tpu.dma_semaphore, #tpu.memory_space<semaphore_mem>>
        tpu.enqueue_indirect_dma source(%dma_start3A_616 : memref<1000000x64xf32, #tpu.memory_space<hbm>>) target(%dma_start3A_610 : memref<128x64xf32, #tpu.memory_space<vmem>>) offsets(%dma_start3A_613 : memref<128xi32, #tpu.memory_space<vmem>>) semaphore(%dma_start3A_618 : memref<!tpu.dma_semaphore, #tpu.memory_space<semaphore_mem>>)
      } else {
      }
      %dma_wait3A_486 = arith.constant 3 : i32
      %dma_wait3A_487 = arith.constant 3 : i32
      %dma_wait3A_488 = arith.constant 0 : i32
      %dma_wait3A_489 = arith.constant 0 : i32
      %dma_wait3A_490 = tpu.memref_slice %arg6[%dma_wait3A_486, %dma_wait3A_488, %dma_wait3A_489] : memref<8x128x64xf32, #tpu.memory_space<vmem>> -> memref<1x128x64xf32, #tpu.memory_space<vmem>>
      %dma_wait3A_491 = tpu.memref_squeeze %dma_wait3A_490 : memref<1x128x64xf32, #tpu.memory_space<vmem>> -> memref<128x64xf32, #tpu.memory_space<vmem>>
      %dma_wait3A_492 = arith.constant 0 : i32
      %dma_wait3A_493 = arith.constant 0 : i32
      %dma_wait3A_494 = tpu.memref_slice %arg4[%dma_wait3A_492, %dma_wait3A_493] : memref<819200x64xf32, #tpu.memory_space<hbm>> -> memref<128x64xf32, #tpu.memory_space<hbm>>
      %dma_wait3A_495 = tpu.memref_slice %arg8[%dma_wait3A_487] : memref<8x!tpu.dma_semaphore, #tpu.memory_space<semaphore_mem>> -> memref<1x!tpu.dma_semaphore, #tpu.memory_space<semaphore_mem>>
      %dma_wait3A_496 = tpu.memref_squeeze %dma_wait3A_495 : memref<1x!tpu.dma_semaphore, #tpu.memory_space<semaphore_mem>> -> memref<!tpu.dma_semaphore, #tpu.memory_space<semaphore_mem>>
      %dma_wait3A_497 = arith.constant 0 : i32
      %dma_wait3A_498 = arith.constant 0 : i32
      %dma_wait3A_499 = tpu.memref_slice %arg4[%dma_wait3A_497, %dma_wait3A_498] : memref<819200x64xf32, #tpu.memory_space<hbm>> -> memref<128x64xf32, #tpu.memory_space<hbm>>
      %dma_wait3A_500 = arith.constant 0 : i32
      %dma_wait3A_501 = arith.constant 0 : i32
      %dma_wait3A_502 = tpu.memref_slice %arg6[%dma_wait3A_486, %dma_wait3A_500, %dma_wait3A_501] : memref<8x128x64xf32, #tpu.memory_space<vmem>> -> memref<1x128x64xf32, #tpu.memory_space<vmem>>
      %dma_wait3A_503 = tpu.memref_squeeze %dma_wait3A_502 : memref<1x128x64xf32, #tpu.memory_space<vmem>> -> memref<128x64xf32, #tpu.memory_space<vmem>>
      tpu.wait_dma2 semaphore(%dma_wait3A_496 : memref<!tpu.dma_semaphore, #tpu.memory_space<semaphore_mem>>) src(%dma_wait3A_503 : memref<128x64xf32, #tpu.memory_space<vmem>>) dst(%dma_wait3A_499 : memref<128x64xf32, #tpu.memory_space<hbm>>)
      %lt3A_504 = arith.constant 24 : i32
      %lt3A_505 = arith.cmpi slt, %add3A_130, %lt3A_504 : i32
      %convert_element_type3A_506 = arith.extui %lt3A_505 : i1 to i32
      %cond3A_507 = arith.constant 0 : i32
      %cond3A_508 = arith.cmpi ne, %convert_element_type3A_506, %cond3A_507 : i32
      scf.if %cond3A_508 {
        %add3A_601 = arith.constant 8 : i32
        %add3A_602 = arith.addi %mul3A_132, %add3A_601 : i32
        %add3A_603 = arith.constant 3 : i32
        %add3A_604 = arith.addi %add3A_602, %add3A_603 : i32
        %dma_start3A_605 = arith.constant 3 : i32
        %dma_start3A_606 = arith.constant 3 : i32
        %dma_start3A_607 = arith.constant 0 : i32
        %dma_start3A_608 = arith.constant 0 : i32
        %dma_start3A_609 = tpu.memref_slice %arg6[%dma_start3A_605, %dma_start3A_607, %dma_start3A_608] : memref<8x128x64xf32, #tpu.memory_space<vmem>> -> memref<1x128x64xf32, #tpu.memory_space<vmem>>
        %dma_start3A_610 = tpu.memref_squeeze %dma_start3A_609 : memref<1x128x64xf32, #tpu.memory_space<vmem>> -> memref<128x64xf32, #tpu.memory_space<vmem>>
        %dma_start3A_611 = arith.constant 0 : i32
        %dma_start3A_612 = tpu.memref_slice %arg5[%add3A_604, %dma_start3A_611] : memref<200x128xi32, #tpu.memory_space<vmem>> -> memref<1x128xi32, #tpu.memory_space<vmem>>
        %dma_start3A_613 = tpu.memref_squeeze %dma_start3A_612 : memref<1x128xi32, #tpu.memory_space<vmem>> -> memref<128xi32, #tpu.memory_space<vmem>>
        %dma_start3A_614 = arith.constant 0 : i32
        %dma_start3A_615 = arith.constant 0 : i32
        %dma_start3A_616 = tpu.memref_slice %arg3[%dma_start3A_614, %dma_start3A_615] : memref<1000000x64xf32, #tpu.memory_space<hbm>> -> memref<1000000x64xf32, #tpu.memory_space<hbm>>
        %dma_start3A_617 = tpu.memref_slice %arg7[%dma_start3A_606] : memref<8x!tpu.dma_semaphore, #tpu.memory_space<semaphore_mem>> -> memref<1x!tpu.dma_semaphore, #tpu.memory_space<semaphore_mem>>
        %dma_start3A_618 = tpu.memref_squeeze %dma_start3A_617 : memref<1x!tpu.dma_semaphore, #tpu.memory_space<semaphore_mem>> -> memref<!tpu.dma_semaphore, #tpu.memory_space<semaphore_mem>>
        tpu.enqueue_indirect_dma source(%dma_start3A_616 : memref<1000000x64xf32, #tpu.memory_space<hbm>>) target(%dma_start3A_610 : memref<128x64xf32, #tpu.memory_space<vmem>>) offsets(%dma_start3A_613 : memref<128xi32, #tpu.memory_space<vmem>>) semaphore(%dma_start3A_618 : memref<!tpu.dma_semaphore, #tpu.memory_space<semaphore_mem>>)
      } else {
      }
      %dma_wait3A_509 = arith.constant 4 : i32
      %dma_wait3A_510 = arith.constant 4 : i32
      %dma_wait3A_511 = arith.constant 0 : i32
      %dma_wait3A_512 = arith.constant 0 : i32
      %dma_wait3A_513 = tpu.memref_slice %arg6[%dma_wait3A_509, %dma_wait3A_511, %dma_wait3A_512] : memref<8x128x64xf32, #tpu.memory_space<vmem>> -> memref<1x128x64xf32, #tpu.memory_space<vmem>>
      %dma_wait3A_514 = tpu.memref_squeeze %dma_wait3A_513 : memref<1x128x64xf32, #tpu.memory_space<vmem>> -> memref<128x64xf32, #tpu.memory_space<vmem>>
      %dma_wait3A_515 = arith.constant 0 : i32
      %dma_wait3A_516 = arith.constant 0 : i32
      %dma_wait3A_517 = tpu.memref_slice %arg4[%dma_wait3A_515, %dma_wait3A_516] : memref<819200x64xf32, #tpu.memory_space<hbm>> -> memref<128x64xf32, #tpu.memory_space<hbm>>
      %dma_wait3A_518 = tpu.memref_slice %arg8[%dma_wait3A_510] : memref<8x!tpu.dma_semaphore, #tpu.memory_space<semaphore_mem>> -> memref<1x!tpu.dma_semaphore, #tpu.memory_space<semaphore_mem>>
      %dma_wait3A_519 = tpu.memref_squeeze %dma_wait3A_518 : memref<1x!tpu.dma_semaphore, #tpu.memory_space<semaphore_mem>> -> memref<!tpu.dma_semaphore, #tpu.memory_space<semaphore_mem>>
      %dma_wait3A_520 = arith.constant 0 : i32
      %dma_wait3A_521 = arith.constant 0 : i32
      %dma_wait3A_522 = tpu.memref_slice %arg4[%dma_wait3A_520, %dma_wait3A_521] : memref<819200x64xf32, #tpu.memory_space<hbm>> -> memref<128x64xf32, #tpu.memory_space<hbm>>
      %dma_wait3A_523 = arith.constant 0 : i32
      %dma_wait3A_524 = arith.constant 0 : i32
      %dma_wait3A_525 = tpu.memref_slice %arg6[%dma_wait3A_509, %dma_wait3A_523, %dma_wait3A_524] : memref<8x128x64xf32, #tpu.memory_space<vmem>> -> memref<1x128x64xf32, #tpu.memory_space<vmem>>
      %dma_wait3A_526 = tpu.memref_squeeze %dma_wait3A_525 : memref<1x128x64xf32, #tpu.memory_space<vmem>> -> memref<128x64xf32, #tpu.memory_space<vmem>>
      tpu.wait_dma2 semaphore(%dma_wait3A_519 : memref<!tpu.dma_semaphore, #tpu.memory_space<semaphore_mem>>) src(%dma_wait3A_526 : memref<128x64xf32, #tpu.memory_space<vmem>>) dst(%dma_wait3A_522 : memref<128x64xf32, #tpu.memory_space<hbm>>)
      %lt3A_527 = arith.constant 24 : i32
      %lt3A_528 = arith.cmpi slt, %add3A_130, %lt3A_527 : i32
      %convert_element_type3A_529 = arith.extui %lt3A_528 : i1 to i32
      %cond3A_530 = arith.constant 0 : i32
      %cond3A_531 = arith.cmpi ne, %convert_element_type3A_529, %cond3A_530 : i32
      scf.if %cond3A_531 {
        %add3A_601 = arith.constant 8 : i32
        %add3A_602 = arith.addi %mul3A_132, %add3A_601 : i32
        %add3A_603 = arith.constant 4 : i32
        %add3A_604 = arith.addi %add3A_602, %add3A_603 : i32
        %dma_start3A_605 = arith.constant 4 : i32
        %dma_start3A_606 = arith.constant 4 : i32
        %dma_start3A_607 = arith.constant 0 : i32
        %dma_start3A_608 = arith.constant 0 : i32
        %dma_start3A_609 = tpu.memref_slice %arg6[%dma_start3A_605, %dma_start3A_607, %dma_start3A_608] : memref<8x128x64xf32, #tpu.memory_space<vmem>> -> memref<1x128x64xf32, #tpu.memory_space<vmem>>
        %dma_start3A_610 = tpu.memref_squeeze %dma_start3A_609 : memref<1x128x64xf32, #tpu.memory_space<vmem>> -> memref<128x64xf32, #tpu.memory_space<vmem>>
        %dma_start3A_611 = arith.constant 0 : i32
        %dma_start3A_612 = tpu.memref_slice %arg5[%add3A_604, %dma_start3A_611] : memref<200x128xi32, #tpu.memory_space<vmem>> -> memref<1x128xi32, #tpu.memory_space<vmem>>
        %dma_start3A_613 = tpu.memref_squeeze %dma_start3A_612 : memref<1x128xi32, #tpu.memory_space<vmem>> -> memref<128xi32, #tpu.memory_space<vmem>>
        %dma_start3A_614 = arith.constant 0 : i32
        %dma_start3A_615 = arith.constant 0 : i32
        %dma_start3A_616 = tpu.memref_slice %arg3[%dma_start3A_614, %dma_start3A_615] : memref<1000000x64xf32, #tpu.memory_space<hbm>> -> memref<1000000x64xf32, #tpu.memory_space<hbm>>
        %dma_start3A_617 = tpu.memref_slice %arg7[%dma_start3A_606] : memref<8x!tpu.dma_semaphore, #tpu.memory_space<semaphore_mem>> -> memref<1x!tpu.dma_semaphore, #tpu.memory_space<semaphore_mem>>
        %dma_start3A_618 = tpu.memref_squeeze %dma_start3A_617 : memref<1x!tpu.dma_semaphore, #tpu.memory_space<semaphore_mem>> -> memref<!tpu.dma_semaphore, #tpu.memory_space<semaphore_mem>>
        tpu.enqueue_indirect_dma source(%dma_start3A_616 : memref<1000000x64xf32, #tpu.memory_space<hbm>>) target(%dma_start3A_610 : memref<128x64xf32, #tpu.memory_space<vmem>>) offsets(%dma_start3A_613 : memref<128xi32, #tpu.memory_space<vmem>>) semaphore(%dma_start3A_618 : memref<!tpu.dma_semaphore, #tpu.memory_space<semaphore_mem>>)
      } else {
      }
      %dma_wait3A_532 = arith.constant 5 : i32
      %dma_wait3A_533 = arith.constant 5 : i32
      %dma_wait3A_534 = arith.constant 0 : i32
      %dma_wait3A_535 = arith.constant 0 : i32
      %dma_wait3A_536 = tpu.memref_slice %arg6[%dma_wait3A_532, %dma_wait3A_534, %dma_wait3A_535] : memref<8x128x64xf32, #tpu.memory_space<vmem>> -> memref<1x128x64xf32, #tpu.memory_space<vmem>>
      %dma_wait3A_537 = tpu.memref_squeeze %dma_wait3A_536 : memref<1x128x64xf32, #tpu.memory_space<vmem>> -> memref<128x64xf32, #tpu.memory_space<vmem>>
      %dma_wait3A_538 = arith.constant 0 : i32
      %dma_wait3A_539 = arith.constant 0 : i32
      %dma_wait3A_540 = tpu.memref_slice %arg4[%dma_wait3A_538, %dma_wait3A_539] : memref<819200x64xf32, #tpu.memory_space<hbm>> -> memref<128x64xf32, #tpu.memory_space<hbm>>
      %dma_wait3A_541 = tpu.memref_slice %arg8[%dma_wait3A_533] : memref<8x!tpu.dma_semaphore, #tpu.memory_space<semaphore_mem>> -> memref<1x!tpu.dma_semaphore, #tpu.memory_space<semaphore_mem>>
      %dma_wait3A_542 = tpu.memref_squeeze %dma_wait3A_541 : memref<1x!tpu.dma_semaphore, #tpu.memory_space<semaphore_mem>> -> memref<!tpu.dma_semaphore, #tpu.memory_space<semaphore_mem>>
      %dma_wait3A_543 = arith.constant 0 : i32
      %dma_wait3A_544 = arith.constant 0 : i32
      %dma_wait3A_545 = tpu.memref_slice %arg4[%dma_wait3A_543, %dma_wait3A_544] : memref<819200x64xf32, #tpu.memory_space<hbm>> -> memref<128x64xf32, #tpu.memory_space<hbm>>
      %dma_wait3A_546 = arith.constant 0 : i32
      %dma_wait3A_547 = arith.constant 0 : i32
      %dma_wait3A_548 = tpu.memref_slice %arg6[%dma_wait3A_532, %dma_wait3A_546, %dma_wait3A_547] : memref<8x128x64xf32, #tpu.memory_space<vmem>> -> memref<1x128x64xf32, #tpu.memory_space<vmem>>
      %dma_wait3A_549 = tpu.memref_squeeze %dma_wait3A_548 : memref<1x128x64xf32, #tpu.memory_space<vmem>> -> memref<128x64xf32, #tpu.memory_space<vmem>>
      tpu.wait_dma2 semaphore(%dma_wait3A_542 : memref<!tpu.dma_semaphore, #tpu.memory_space<semaphore_mem>>) src(%dma_wait3A_549 : memref<128x64xf32, #tpu.memory_space<vmem>>) dst(%dma_wait3A_545 : memref<128x64xf32, #tpu.memory_space<hbm>>)
      %lt3A_550 = arith.constant 24 : i32
      %lt3A_551 = arith.cmpi slt, %add3A_130, %lt3A_550 : i32
      %convert_element_type3A_552 = arith.extui %lt3A_551 : i1 to i32
      %cond3A_553 = arith.constant 0 : i32
      %cond3A_554 = arith.cmpi ne, %convert_element_type3A_552, %cond3A_553 : i32
      scf.if %cond3A_554 {
        %add3A_601 = arith.constant 8 : i32
        %add3A_602 = arith.addi %mul3A_132, %add3A_601 : i32
        %add3A_603 = arith.constant 5 : i32
        %add3A_604 = arith.addi %add3A_602, %add3A_603 : i32
        %dma_start3A_605 = arith.constant 5 : i32
        %dma_start3A_606 = arith.constant 5 : i32
        %dma_start3A_607 = arith.constant 0 : i32
        %dma_start3A_608 = arith.constant 0 : i32
        %dma_start3A_609 = tpu.memref_slice %arg6[%dma_start3A_605, %dma_start3A_607, %dma_start3A_608] : memref<8x128x64xf32, #tpu.memory_space<vmem>> -> memref<1x128x64xf32, #tpu.memory_space<vmem>>
        %dma_start3A_610 = tpu.memref_squeeze %dma_start3A_609 : memref<1x128x64xf32, #tpu.memory_space<vmem>> -> memref<128x64xf32, #tpu.memory_space<vmem>>
        %dma_start3A_611 = arith.constant 0 : i32
        %dma_start3A_612 = tpu.memref_slice %arg5[%add3A_604, %dma_start3A_611] : memref<200x128xi32, #tpu.memory_space<vmem>> -> memref<1x128xi32, #tpu.memory_space<vmem>>
        %dma_start3A_613 = tpu.memref_squeeze %dma_start3A_612 : memref<1x128xi32, #tpu.memory_space<vmem>> -> memref<128xi32, #tpu.memory_space<vmem>>
        %dma_start3A_614 = arith.constant 0 : i32
        %dma_start3A_615 = arith.constant 0 : i32
        %dma_start3A_616 = tpu.memref_slice %arg3[%dma_start3A_614, %dma_start3A_615] : memref<1000000x64xf32, #tpu.memory_space<hbm>> -> memref<1000000x64xf32, #tpu.memory_space<hbm>>
        %dma_start3A_617 = tpu.memref_slice %arg7[%dma_start3A_606] : memref<8x!tpu.dma_semaphore, #tpu.memory_space<semaphore_mem>> -> memref<1x!tpu.dma_semaphore, #tpu.memory_space<semaphore_mem>>
        %dma_start3A_618 = tpu.memref_squeeze %dma_start3A_617 : memref<1x!tpu.dma_semaphore, #tpu.memory_space<semaphore_mem>> -> memref<!tpu.dma_semaphore, #tpu.memory_space<semaphore_mem>>
        tpu.enqueue_indirect_dma source(%dma_start3A_616 : memref<1000000x64xf32, #tpu.memory_space<hbm>>) target(%dma_start3A_610 : memref<128x64xf32, #tpu.memory_space<vmem>>) offsets(%dma_start3A_613 : memref<128xi32, #tpu.memory_space<vmem>>) semaphore(%dma_start3A_618 : memref<!tpu.dma_semaphore, #tpu.memory_space<semaphore_mem>>)
      } else {
      }
      %dma_wait3A_555 = arith.constant 6 : i32
      %dma_wait3A_556 = arith.constant 6 : i32
      %dma_wait3A_557 = arith.constant 0 : i32
      %dma_wait3A_558 = arith.constant 0 : i32
      %dma_wait3A_559 = tpu.memref_slice %arg6[%dma_wait3A_555, %dma_wait3A_557, %dma_wait3A_558] : memref<8x128x64xf32, #tpu.memory_space<vmem>> -> memref<1x128x64xf32, #tpu.memory_space<vmem>>
      %dma_wait3A_560 = tpu.memref_squeeze %dma_wait3A_559 : memref<1x128x64xf32, #tpu.memory_space<vmem>> -> memref<128x64xf32, #tpu.memory_space<vmem>>
      %dma_wait3A_561 = arith.constant 0 : i32
      %dma_wait3A_562 = arith.constant 0 : i32
      %dma_wait3A_563 = tpu.memref_slice %arg4[%dma_wait3A_561, %dma_wait3A_562] : memref<819200x64xf32, #tpu.memory_space<hbm>> -> memref<128x64xf32, #tpu.memory_space<hbm>>
      %dma_wait3A_564 = tpu.memref_slice %arg8[%dma_wait3A_556] : memref<8x!tpu.dma_semaphore, #tpu.memory_space<semaphore_mem>> -> memref<1x!tpu.dma_semaphore, #tpu.memory_space<semaphore_mem>>
      %dma_wait3A_565 = tpu.memref_squeeze %dma_wait3A_564 : memref<1x!tpu.dma_semaphore, #tpu.memory_space<semaphore_mem>> -> memref<!tpu.dma_semaphore, #tpu.memory_space<semaphore_mem>>
      %dma_wait3A_566 = arith.constant 0 : i32
      %dma_wait3A_567 = arith.constant 0 : i32
      %dma_wait3A_568 = tpu.memref_slice %arg4[%dma_wait3A_566, %dma_wait3A_567] : memref<819200x64xf32, #tpu.memory_space<hbm>> -> memref<128x64xf32, #tpu.memory_space<hbm>>
      %dma_wait3A_569 = arith.constant 0 : i32
      %dma_wait3A_570 = arith.constant 0 : i32
      %dma_wait3A_571 = tpu.memref_slice %arg6[%dma_wait3A_555, %dma_wait3A_569, %dma_wait3A_570] : memref<8x128x64xf32, #tpu.memory_space<vmem>> -> memref<1x128x64xf32, #tpu.memory_space<vmem>>
      %dma_wait3A_572 = tpu.memref_squeeze %dma_wait3A_571 : memref<1x128x64xf32, #tpu.memory_space<vmem>> -> memref<128x64xf32, #tpu.memory_space<vmem>>
      tpu.wait_dma2 semaphore(%dma_wait3A_565 : memref<!tpu.dma_semaphore, #tpu.memory_space<semaphore_mem>>) src(%dma_wait3A_572 : memref<128x64xf32, #tpu.memory_space<vmem>>) dst(%dma_wait3A_568 : memref<128x64xf32, #tpu.memory_space<hbm>>)
      %lt3A_573 = arith.constant 24 : i32
      %lt3A_574 = arith.cmpi slt, %add3A_130, %lt3A_573 : i32
      %convert_element_type3A_575 = arith.extui %lt3A_574 : i1 to i32
      %cond3A_576 = arith.constant 0 : i32
      %cond3A_577 = arith.cmpi ne, %convert_element_type3A_575, %cond3A_576 : i32
      scf.if %cond3A_577 {
        %add3A_601 = arith.constant 8 : i32
        %add3A_602 = arith.addi %mul3A_132, %add3A_601 : i32
        %add3A_603 = arith.constant 6 : i32
        %add3A_604 = arith.addi %add3A_602, %add3A_603 : i32
        %dma_start3A_605 = arith.constant 6 : i32
        %dma_start3A_606 = arith.constant 6 : i32
        %dma_start3A_607 = arith.constant 0 : i32
        %dma_start3A_608 = arith.constant 0 : i32
        %dma_start3A_609 = tpu.memref_slice %arg6[%dma_start3A_605, %dma_start3A_607, %dma_start3A_608] : memref<8x128x64xf32, #tpu.memory_space<vmem>> -> memref<1x128x64xf32, #tpu.memory_space<vmem>>
        %dma_start3A_610 = tpu.memref_squeeze %dma_start3A_609 : memref<1x128x64xf32, #tpu.memory_space<vmem>> -> memref<128x64xf32, #tpu.memory_space<vmem>>
        %dma_start3A_611 = arith.constant 0 : i32
        %dma_start3A_612 = tpu.memref_slice %arg5[%add3A_604, %dma_start3A_611] : memref<200x128xi32, #tpu.memory_space<vmem>> -> memref<1x128xi32, #tpu.memory_space<vmem>>
        %dma_start3A_613 = tpu.memref_squeeze %dma_start3A_612 : memref<1x128xi32, #tpu.memory_space<vmem>> -> memref<128xi32, #tpu.memory_space<vmem>>
        %dma_start3A_614 = arith.constant 0 : i32
        %dma_start3A_615 = arith.constant 0 : i32
        %dma_start3A_616 = tpu.memref_slice %arg3[%dma_start3A_614, %dma_start3A_615] : memref<1000000x64xf32, #tpu.memory_space<hbm>> -> memref<1000000x64xf32, #tpu.memory_space<hbm>>
        %dma_start3A_617 = tpu.memref_slice %arg7[%dma_start3A_606] : memref<8x!tpu.dma_semaphore, #tpu.memory_space<semaphore_mem>> -> memref<1x!tpu.dma_semaphore, #tpu.memory_space<semaphore_mem>>
        %dma_start3A_618 = tpu.memref_squeeze %dma_start3A_617 : memref<1x!tpu.dma_semaphore, #tpu.memory_space<semaphore_mem>> -> memref<!tpu.dma_semaphore, #tpu.memory_space<semaphore_mem>>
        tpu.enqueue_indirect_dma source(%dma_start3A_616 : memref<1000000x64xf32, #tpu.memory_space<hbm>>) target(%dma_start3A_610 : memref<128x64xf32, #tpu.memory_space<vmem>>) offsets(%dma_start3A_613 : memref<128xi32, #tpu.memory_space<vmem>>) semaphore(%dma_start3A_618 : memref<!tpu.dma_semaphore, #tpu.memory_space<semaphore_mem>>)
      } else {
      }
      %dma_wait3A_578 = arith.constant 7 : i32
      %dma_wait3A_579 = arith.constant 7 : i32
      %dma_wait3A_580 = arith.constant 0 : i32
      %dma_wait3A_581 = arith.constant 0 : i32
      %dma_wait3A_582 = tpu.memref_slice %arg6[%dma_wait3A_578, %dma_wait3A_580, %dma_wait3A_581] : memref<8x128x64xf32, #tpu.memory_space<vmem>> -> memref<1x128x64xf32, #tpu.memory_space<vmem>>
      %dma_wait3A_583 = tpu.memref_squeeze %dma_wait3A_582 : memref<1x128x64xf32, #tpu.memory_space<vmem>> -> memref<128x64xf32, #tpu.memory_space<vmem>>
      %dma_wait3A_584 = arith.constant 0 : i32
      %dma_wait3A_585 = arith.constant 0 : i32
      %dma_wait3A_586 = tpu.memref_slice %arg4[%dma_wait3A_584, %dma_wait3A_585] : memref<819200x64xf32, #tpu.memory_space<hbm>> -> memref<128x64xf32, #tpu.memory_space<hbm>>
      %dma_wait3A_587 = tpu.memref_slice %arg8[%dma_wait3A_579] : memref<8x!tpu.dma_semaphore, #tpu.memory_space<semaphore_mem>> -> memref<1x!tpu.dma_semaphore, #tpu.memory_space<semaphore_mem>>
      %dma_wait3A_588 = tpu.memref_squeeze %dma_wait3A_587 : memref<1x!tpu.dma_semaphore, #tpu.memory_space<semaphore_mem>> -> memref<!tpu.dma_semaphore, #tpu.memory_space<semaphore_mem>>
      %dma_wait3A_589 = arith.constant 0 : i32
      %dma_wait3A_590 = arith.constant 0 : i32
      %dma_wait3A_591 = tpu.memref_slice %arg4[%dma_wait3A_589, %dma_wait3A_590] : memref<819200x64xf32, #tpu.memory_space<hbm>> -> memref<128x64xf32, #tpu.memory_space<hbm>>
      %dma_wait3A_592 = arith.constant 0 : i32
      %dma_wait3A_593 = arith.constant 0 : i32
      %dma_wait3A_594 = tpu.memref_slice %arg6[%dma_wait3A_578, %dma_wait3A_592, %dma_wait3A_593] : memref<8x128x64xf32, #tpu.memory_space<vmem>> -> memref<1x128x64xf32, #tpu.memory_space<vmem>>
      %dma_wait3A_595 = tpu.memref_squeeze %dma_wait3A_594 : memref<1x128x64xf32, #tpu.memory_space<vmem>> -> memref<128x64xf32, #tpu.memory_space<vmem>>
      tpu.wait_dma2 semaphore(%dma_wait3A_588 : memref<!tpu.dma_semaphore, #tpu.memory_space<semaphore_mem>>) src(%dma_wait3A_595 : memref<128x64xf32, #tpu.memory_space<vmem>>) dst(%dma_wait3A_591 : memref<128x64xf32, #tpu.memory_space<hbm>>)
      %lt3A_596 = arith.constant 24 : i32
      %lt3A_597 = arith.cmpi slt, %add3A_130, %lt3A_596 : i32
      %convert_element_type3A_598 = arith.extui %lt3A_597 : i1 to i32
      %cond3A_599 = arith.constant 0 : i32
      %cond3A_600 = arith.cmpi ne, %convert_element_type3A_598, %cond3A_599 : i32
      scf.if %cond3A_600 {
        %add3A_601 = arith.constant 8 : i32
        %add3A_602 = arith.addi %mul3A_132, %add3A_601 : i32
        %add3A_603 = arith.constant 7 : i32
        %add3A_604 = arith.addi %add3A_602, %add3A_603 : i32
        %dma_start3A_605 = arith.constant 7 : i32
        %dma_start3A_606 = arith.constant 7 : i32
        %dma_start3A_607 = arith.constant 0 : i32
        %dma_start3A_608 = arith.constant 0 : i32
        %dma_start3A_609 = tpu.memref_slice %arg6[%dma_start3A_605, %dma_start3A_607, %dma_start3A_608] : memref<8x128x64xf32, #tpu.memory_space<vmem>> -> memref<1x128x64xf32, #tpu.memory_space<vmem>>
        %dma_start3A_610 = tpu.memref_squeeze %dma_start3A_609 : memref<1x128x64xf32, #tpu.memory_space<vmem>> -> memref<128x64xf32, #tpu.memory_space<vmem>>
        %dma_start3A_611 = arith.constant 0 : i32
        %dma_start3A_612 = tpu.memref_slice %arg5[%add3A_604, %dma_start3A_611] : memref<200x128xi32, #tpu.memory_space<vmem>> -> memref<1x128xi32, #tpu.memory_space<vmem>>
        %dma_start3A_613 = tpu.memref_squeeze %dma_start3A_612 : memref<1x128xi32, #tpu.memory_space<vmem>> -> memref<128xi32, #tpu.memory_space<vmem>>
        %dma_start3A_614 = arith.constant 0 : i32
        %dma_start3A_615 = arith.constant 0 : i32
        %dma_start3A_616 = tpu.memref_slice %arg3[%dma_start3A_614, %dma_start3A_615] : memref<1000000x64xf32, #tpu.memory_space<hbm>> -> memref<1000000x64xf32, #tpu.memory_space<hbm>>
        %dma_start3A_617 = tpu.memref_slice %arg7[%dma_start3A_606] : memref<8x!tpu.dma_semaphore, #tpu.memory_space<semaphore_mem>> -> memref<1x!tpu.dma_semaphore, #tpu.memory_space<semaphore_mem>>
        %dma_start3A_618 = tpu.memref_squeeze %dma_start3A_617 : memref<1x!tpu.dma_semaphore, #tpu.memory_space<semaphore_mem>> -> memref<!tpu.dma_semaphore, #tpu.memory_space<semaphore_mem>>
        tpu.enqueue_indirect_dma source(%dma_start3A_616 : memref<1000000x64xf32, #tpu.memory_space<hbm>>) target(%dma_start3A_610 : memref<128x64xf32, #tpu.memory_space<vmem>>) offsets(%dma_start3A_613 : memref<128xi32, #tpu.memory_space<vmem>>) semaphore(%dma_start3A_618 : memref<!tpu.dma_semaphore, #tpu.memory_space<semaphore_mem>>)
      } else {
      }
    }
    %scan3A_125 = arith.constant 25 : i32
    return
  }
}

</mosaic_0001>

<sc_bundles>
// kernel: kernel.3.cloned.1.call-start
scs
__scs_entry_jumppad:
0x0: {  	(pc) =	sbr.rel $0x88, $3  }
0x1: {  	(tag) =	ssettag $0x0;
	lr =	simm.s32 $0x1  }
0x2: {  	[smem:$0x3F9F] =	sst lr;
	_ =	strace $0xD0000000  }
0x3: {  	_ = 	snop  }
0x4: {  	_ = 	snop  }
0x5: {  	_ = 	snop  }
0x6: {  	_ = 	snop  }
0x7: {  	_ = 	snop  }
__scs_overlays_trampoline_lowered:
0x8: {  	[smem:$0x3FAE] =	sst s0  }
0x9: {  	[smem:$0x3FAF] =	sst s1  }
0xa: {  	[smem:$0x3FB0] =	sst s2  }
0xb: {  	[smem:$0x3FB1] =	sst s3  }
0xc: {  	[smem:$0x3FB2] =	sst s4  }
0xd: {  	[smem:$0x3FB3] =	sst s5  }
0xe: {  	[smem:$0x3FB4] =	sst s6  }
0xf: {  	[smem:$0x3FB5] =	sst s7  }
0x10: {  	[smem:$0x3FB6] =	sst s8  }
0x11: {  	[smem:$0x3FB7] =	sst s9;
	s0 =	simm.s32 @!p0 $0x0  }
0x12: {  	s1 =	sld [smem:$0x3F9D];
	s0 =	simm.s32 @p0 $0x1  }
0x13: {  	[smem:$0x3FB8] =	sst s0;
	s0 =	simm.s32 @!p1 $0x0  }
0x14: {  	s2 =	sld [smem:$0x3F9C];
	s0 =	simm.s32 @p1 $0x1  }
0x15: {  	[smem:$0x3FB9] =	sst s0;
	s0 =	simm.s32 @!p2 $0x0  }
0x16: {  	s3 =	sld [smem:$0x3FDB];
	s0 =	simm.s32 @p2 $0x1  }
0x17: {  	s4 =	simm.s32 $0x1BF5;
	[smem:$0x3FBB] =	sst s0  }
0x18: {  	s0 =	sld [smem:$0x3F9E];
	_ =	swait.ge [sflag:s4], $0x0  }
0x19: {  	s7 =	sld [smem:$0x3F9F]  }
0x1a: {  	s8 =	sadd.s32 $0xFFFFE003, lr  }
0x1b: {  	s9 =	sadd.s32 $0xFFFFFEF7, lr;
	s5 =	simm.s32 $0xFFFFFFFF;
	p2 =	slt.u32 s8, $0xFFFFF086  }
0x1c: {  	p1 =	slt.u32 s9, $0xF7A;
	s5 =	simm.s32 @!p2 $0x0  }
0x1d: {  	s5 =	simm.s32 @p1 $0x1;
	p0 =	seq.s32 s7, s2  }
0x1e: {  	s7 =	smul.u32 @!p0 $0xF7A, s2;
	p2 =	seq.s32 @!p0 s5, $0x0  }
0x1f: {  	s9 =	smul.u32 $0xF7A, s1;
	s8 =	simm.s32 @!p0 $0x1BF5;
	p2 =	por !p2, p0  }
0x20: {  	[sflag:s8] =	ssyncset.s32 @!p0 $0xFFFFF086;
	s6 =	sadd.s32 @!p0 s3, s7;
	s7 =	simm.s32 @!p0 $0x108  }
0x21: {  	s3 =	sadd.s32 s3, s9;
	s6 =	sadd.s32 @!p0 $0x88, s6;
	s7 =	simm.s32 @p2 $0x1082  }
0x22: {  	[simem:s7], [sflag:s8] =	dma.local @!p0 [hbm:s6], $0xF7A  }
0x23: {  	s9 =	sor.u32 $0xD0000000, s2;
	s6 =	simm.s32 $0x108;
	_ =	swait.ge @!p0 [sflag:s8], $0x0  }
0x24: {  	s3 =	sadd.s32 $0x88, s3;
	s6 =	simm.s32 @!p1 $0x1082;
	[sflag:s4] =	ssyncset.s32 $0xFFFFF086  }
0x25: {  	[simem:s6], [sflag:s4] =	dma.local [hbm:s3], $0xF7A  }
0x26: {  	[smem:$0x3F9F] =	sst s1;
	(tag) =	ssettag s2;
	_ =	strace s9  }
0x27: {  	s1 =	sld [smem:$0x3FAF]  }
0x28: {  	s2 =	sld [smem:$0x3FB0]  }
0x29: {  	s4 =	sld [smem:$0x3FB2]  }
0x2a: {  	p0 =	seq.s32 s5, $0x0;
	s5 =	sld [smem:$0x3FB3]  }
0x2b: {  	s6 =	sld [smem:$0x3FB4]  }
0x2c: {  	s7 =	sld [smem:$0x3FB5]  }
0x2d: {  	s3 =	simm.s32 $0x108;
	s8 =	sld [smem:$0x3FB6]  }
0x2e: {  	s3 =	simm.s32 @!p0 $0x1082;
	s9 =	sld [smem:$0x3FB7]  }
0x2f: {  	lr =	sadd.s32 s0, s3;
	s0 =	sld [smem:$0x3FAE]  }
0x30: {  	s3 =	sld [smem:$0x3FB1]  }
0x31: {  	[smem:$0x3FBA] =	sst s10  }
0x32: {  	s10 =	sld [smem:$0x3FB8];
	_ =	sdelay $0x3  }
0x33: {  	p0 =	seq.s32 s10, $0x1;
	s10 =	sld [smem:$0x3FBA];
	_ =	sdelay $0x3  }
0x34: {  	[smem:$0x3FBA] =	sst s10  }
0x35: {  	s10 =	sld [smem:$0x3FB9];
	_ =	sdelay $0x3  }
0x36: {  	p1 =	seq.s32 s10, $0x1;
	s10 =	sld [smem:$0x3FBA];
	_ =	sdelay $0x3  }
0x37: {  	[smem:$0x3FBA] =	sst s10  }
0x38: {  	s10 =	sld [smem:$0x3FBB]  }
0x39: {  	_ = 	snop;
	(pc) =	sbr.ind lr, $3  }
0x3a: {  	_ = 	snop  }
0x3b: {  	_ = 	snop  }
0x3c: {  	p2 =	seq.s32 s10, $0x1;
	s10 =	sld [smem:$0x3FBA]  }
0x3d: {  	_ =	shalt  }
0x3e: {  	_ =	shalt  }
0x3f: {  	_ =	shalt  }
0x40: {  	_ =	shalt  }
0x41: {  	_ =	shalt  }
0x42: {  	_ =	shalt  }
0x43: {  	_ =	shalt  }
0x44: {  	_ =	shalt  }
0x45: {  	_ =	shalt  }
0x46: {  	_ =	shalt  }
0x47: {  	_ =	shalt  }
0x48: {  	_ =	shalt  }
0x49: {  	_ =	shalt  }
0x4a: {  	_ =	shalt  }
0x4b: {  	_ =	shalt  }
0x4c: {  	_ =	shalt  }
0x4d: {  	_ =	shalt  }
0x4e: {  	_ =	shalt  }
0x4f: {  	_ =	shalt  }
0x50: {  	_ =	shalt  }
0x51: {  	_ =	shalt  }
0x52: {  	_ =	shalt  }
0x53: {  	_ =	shalt  }
0x54: {  	_ =	shalt  }
0x55: {  	_ =	shalt  }
0x56: {  	_ =	shalt  }
0x57: {  	_ =	shalt  }
0x58: {  	_ =	shalt  }
0x59: {  	_ =	shalt  }
0x5a: {  	_ =	shalt  }
0x5b: {  	_ =	shalt  }
0x5c: {  	_ =	shalt  }
0x5d: {  	_ =	shalt  }
0x5e: {  	_ =	shalt  }
0x5f: {  	_ =	shalt  }
0x60: {  	_ =	shalt  }
0x61: {  	_ =	shalt  }
0x62: {  	_ =	shalt  }
0x63: {  	_ =	shalt  }
0x64: {  	_ =	shalt  }
0x65: {  	_ =	shalt  }
0x66: {  	_ =	shalt  }
0x67: {  	_ =	shalt  }
0x68: {  	_ =	shalt  }
0x69: {  	_ =	shalt  }
0x6a: {  	_ =	shalt  }
0x6b: {  	_ =	shalt  }
0x6c: {  	_ =	shalt  }
0x6d: {  	_ =	shalt  }
0x6e: {  	_ =	shalt  }
0x6f: {  	_ =	shalt  }
0x70: {  	_ =	shalt  }
0x71: {  	_ =	shalt  }
0x72: {  	_ =	shalt  }
0x73: {  	_ =	shalt  }
0x74: {  	_ =	shalt  }
0x75: {  	_ =	shalt  }
0x76: {  	_ =	shalt  }
0x77: {  	_ =	shalt  }
0x78: {  	_ =	shalt  }
0x79: {  	_ =	shalt  }
0x7a: {  	_ =	shalt  }
0x7b: {  	_ =	shalt  }
0x7c: {  	_ =	shalt  }
0x7d: {  	_ =	shalt  }
0x7e: {  	_ =	shalt  }
0x7f: {  	_ =	shalt  }
0x80: {  	_ =	shalt  }
0x81: {  	_ =	shalt  }
0x82: {  	_ =	shalt  }
0x83: {  	_ =	shalt  }
0x84: {  	_ =	shalt  }
0x85: {  	_ =	shalt  }
0x86: {  	_ =	shalt  }
0x87: {  	_ =	shalt  }
.Lfunc_end0:
.L_simem_size_0:
called_computation.1_lowered:
.L_overlay_start_0:
0x88: {  	s2 =	sld [smem:$0x3FD9]  }
0x89: {  	s3 =	sld [smem:$0x3FFE];
	_ =	sdelay $0x1  }
0x8a: {  	s1 =	srdreg.scid  }
0x8b: {  	s0 =	sand.u32 $0x1, s1  }
0x8c: {  	s17 =	sshll.u32 s0, $0xA;
	s2 =	sadd.s32 s3, s2  }
0x8d: {  	s2 =	sadd.s32 s2, s17  }
0x8e: {  	[smem:$0x3FC6] =	sst s2  }
0x8f: {  	_ = 	snop  }
0x90: {  	s2 =	sld [smem:$0x3FD0];
	(tm) =	ssettm $0x1  }
0x91: {  	s18 =	sld [smem:$0x3FFB];
	_ =	sdelay $0x3  }
0x92: {  	_ =	strace s18  }
0x93: {  	s3 =	sld [smem:$0x3FFC];
	_ =	sdelay $0x3  }
0x94: {  	_ =	strace s3  }
0x95: {  	s3 =	sld [smem:$0x3FFD];
	_ =	sdelay $0x3  }
0x96: {  	_ =	strace s3  }
0x97: {  	_ =	strace $0x8FFFFFFF  }
0x98: {  	s19 =	sld [smem:$0x3FDB];
	_ =	sdelay $0x1  }
0x99: {  	s4 =	simm.s32 $_scs_section_size  }
0x9a: {  	s5 =	simm.s32 $_size__tile_overlayer_lowered;
	s6 =	simm.s32 $_tile_overlayer_lowered  }
0x9b: {  	s22 =	simm.s32 $0x1BFF;
	s21 =	sshll.u32 s6, $0x1;
	s3 =	sadd.s32 s4, s19  }
0x9c: {  	s7 =	simm.s32 $0x0;
	s20 =	sshll.u32 s5, $0x1;
	s5 =	sadd.s32 s21, s3  }
0x9d: {  	[timem:s7], [sflag:s22] =	dma.local [hbm:s5], s20  }
0x9e: {  	_ =	swait.ge [sflag:s22], s20  }
0x9f: {  	s4 =	ssub.s32 $0x0, s20;
	[sflag:s22] =	ssyncset.done $0x0  }
0xa0: {  	[sflag:s22] =	ssyncadd.s32 s4;
	_ =	sdelay $0x1  }
0xa1: {  	s23 =	simm.s32 $0x1B8B  }
0xa2: {  	_ =	swait.ge [sflag:s23], $0x1  }
0xa3: {  	[sflag:s23] =	ssyncset.done $0x0  }
0xa4: {  	s25 =	simm.s32 $0x1B8E;
	s24 =	sld [smem:$0x3FFE];
	[sflag:s23] =	ssyncadd.s32 $0xFFFFFFFF  }
0xa5: {  	s26 =	simm.s32 $execute0_lowered;
	[smem:$0x3FD2] =	sst s25  }
0xa6: {  	s5 =	sshll.u32 s26, $0x1;
	_ =	strace $0x80000046;
	[dreg:$0x1] =	wrdreg $0xFFFFFFFF  }
0xa7: {  	s28 =	simm.s32 $_size_execute0_lowered;
	s3 =	sadd.s32 s3, s5;
	[dreg:$0x0] =	wrdreg $0x0  }
0xa8: {  	s5 =	sshll.u32 s28, $0x1;
	[dreg:$0x2] =	wrdreg s3  }
0xa9: {  	[dreg:$0x3] =	wrdreg s5  }
0xaa: {  	[dreg:$0x4] =	wrdreg $0xC0  }
0xab: {  	_ =	task [dreg:s7], $0x5FFFF  }
0xac: {  	[dreg:$0x1] =	wrdreg $0xFFFFFFFF  }
0xad: {  	[dreg:$0x0] =	wrdreg $0x60  }
0xae: {  	[dreg:$0x2] =	wrdreg s24  }
0xaf: {  	[dreg:$0x3] =	wrdreg s2  }
0xb0: {  	[dreg:$0x4] =	wrdreg $0x9  }
0xb1: {  	_ =	task.clear_ibuf [dreg:s7], $0x5FFFF;
	_ =	strace $0x90000046  }
0xb2: {  	s29 =	simm.s32 $0x9;
	_ =	strace $0x80000048  }
0xb3: {  	_ =	swait.ge [sflag:s29], $0x1  }
0xb4: {  	[sflag:s29] =	ssyncadd.s32 $0xFFFFFFFF  }
0xb5: {  	_ =	strace $0x90000048  }
0xb6: {  	_ =	sfence  }
0xb7: {  	s30 =	sld [smem:$0x0];
	_ =	sdelay $0x2  }
0xb8: {  	s31 =	sshll.u32 s1, $0xD;
	s1 =	sshrl.u32 s1, $0x2  }
0xb9: {  	s3 =	sand.u32 $0x4000, s31;
	s1 =	sadd.s32 s1, s30  }
0xba: {  	s0 =	sor.u32 s3, s0;
	s1 =	sshll.u32 s1, $0x11  }
0xbb: {  	s0 =	sor.u32 s1, s0  }
0xbc: {  	s0 =	sadd.s32 $0x8F2B, s0  }
0xbd: {  	[sflag:s0] =	ssyncadd.remote.s32 $0x1  }
0xbe: {  	_ =	sfence.sel $0xFFFF  }
0xbf: {  	[dreg:$0x0] =	wrdreg $0xFFFFFFFF;
	(pc) =	sbr.abs _section_cstart, $3  }
0xc0: {  	[dreg:$0x1] =	wrdreg $0xFFFFFFFF  }
0xc1: {  	_ =	task.clear_ibuf [dreg:s7], $0x2FFFF;
	_ =	strace $0x9FFFFFFF  }
0xc2: {  	(tm) =	ssettm $0x7FFFFFFF  }
0xc3: {  	_ =	shalt  }
tec
execute0_lowered:
.L_overlay_start_1:
0x0: {  	(tag) =	ssettag $0x1  }
0x1: {  	s0 =	srdreg.scid  }
0x2: {  	s8 =	stileid.u32;
	s1 =	rddreg [dreg:$0x0];
	s3 =	simm.s32 $0x0  }
0x3: {  	s13 =	simm.s32 $0x80;
	s14 =	simm.s32 $0x6400;
	s15 =	simm.s32 $0x8400  }
0x4: {  	s17 =	simm.s32 $0xA400;
	s19 =	simm.s32 $0xC400;
	s21 =	simm.s32 $0xE400  }
0x5: {  	s28 =	simm.s32 $0x14400;
	s29 =	simm.s32 $0x1;
	s30 =	simm.s32 $0x2  }
0x6: {  	s31 =	simm.s32 $0x3;
	s16 =	simm.s32 $0x7;
	s18 =	simm.s32 $0x8  }
0x7: {  	s20 =	simm.s32 $0x9;
	s12 =	simm.s32 $0xF;
	s5 =	smul.u32 $0x190, s8  }
0x8: {  	s0 =	sand.u32 $0x1, s0;
	s2 =	sshll.u32 s8, $0x1;
	s23 =	smul.u32 $0x64000, s8  }
0x9: {  	[smem:$0x7FF] =	sst s3;
	s4 =	sadd.s32 $0xF42E00, s1;
	s6 =	smul.u32 $0xC8, s0  }
0xa: {  	s2 =	sor.u32 s0, s2;
	s22 =	ssub.s32 $0x2, s0;
	s0 =	smul.u32 $0x32000, s0  }
0xb: {  	s9 =	simm.s32 $0x0;
	_ =	strace $0x80000047;
	s2 =	smul.u32 $0xC80, s2  }
0xc: {  	s7 =	sshrl.u32 s22, $0x1;
	s5 =	sadd.s32 s6, s5;
	s0 =	sadd.s32 s0, s23  }
0xd: {  	s23 =	simm.s32 $0x10400;
	s6 =	simm.s32 $0xD;
	s2 =	sadd.s32 s2, s1  }
0xe: {  	s1 =	ssub.s32 s22, s7;
	s5 =	sshll.u32 s5, $0xA;
	[dreg:$0x9] =	wrdreg s0  }
0xf: {  	s0 =	simm.s32 $0x5;
	s2 =	sadd.s32 $0xA00, s2;
	[dreg:$0x3] =	wrdreg s5  }
0x10: {  	s22 =	simm.s32 $0xA;
	s1 =	smax.u32 s1, $0x1;
	[dreg:$0x4] =	wrdreg s2  }
.Ltmp0:
0x11: {  	s24 =	sor.u32 $0x1800, s5;
	[dreg:$0x5] =	wrdreg s1;
	(pc) =	sbr.rel .LBB2_1-.Ltmp0, $4  }
0x12: {  	s7 =	simm.s32 $0xE;
	s25 =	sor.u32 $0x1000, s5;
	[dreg:$0x6] =	wrdreg s24  }
0x13: {  	s26 =	sor.u32 $0x800, s5;
	s5 =	simm.s32 $0x10;
	[dreg:$0x7] =	wrdreg s25  }
0x14: {  	[dreg:$0x8] =	wrdreg s26;
	s25 =	simm.s32 $0x12400;
	s1 =	simm.s32 $0x4  }
0x15: {  	s2 =	simm.s32 $0x6;
	s24 =	simm.s32 $0xB;
	s26 =	simm.s32 $0xC  }
.LBB2_4:
0x16: {  	_ =	swait.ge [sflag:s22], $0x2000  }
0x17: {  	[sflag:s22] =	ssyncset.done $0x0  }
0x18: {  	[sflag:s22] =	ssyncadd.s32 $0xFFFFE000  }
0x19: {  	_ =	swait.ge [sflag:s24], $0x2000  }
0x1a: {  	[sflag:s24] =	ssyncset.done $0x0  }
0x1b: {  	[sflag:s24] =	ssyncadd.s32 $0xFFFFE000  }
0x1c: {  	_ =	swait.ge [sflag:s26], $0x2000  }
0x1d: {  	[sflag:s26] =	ssyncset.done $0x0  }
0x1e: {  	[sflag:s26] =	ssyncadd.s32 $0xFFFFE000  }
0x1f: {  	_ =	swait.ge [sflag:s6], $0x2000  }
0x20: {  	[sflag:s6] =	ssyncset.done $0x0  }
0x21: {  	[sflag:s6] =	ssyncadd.s32 $0xFFFFE000  }
0x22: {  	_ =	swait.ge [sflag:s7], $0x2000  }
0x23: {  	[sflag:s7] =	ssyncset.done $0x0  }
0x24: {  	[sflag:s7] =	ssyncadd.s32 $0xFFFFE000  }
0x25: {  	_ =	swait.ge [sflag:s12], $0x2000  }
0x26: {  	[sflag:s12] =	ssyncset.done $0x0  }
0x27: {  	[sflag:s12] =	ssyncadd.s32 $0xFFFFE000  }
0x28: {  	_ =	swait.ge [sflag:s5], $0x2000  }
0x29: {  	s9 =	rddreg [dreg:$0xa]  }
0x2a: {  	s8 =	rddreg [dreg:$0x5];
	s9 =	sadd.s32 $0x1, s9  }
0x2b: {  	p0 =	sne.s32 s9, s8  }
.Ltmp1:
0x2c: {  	_ = 	snop;
	(pc) =	sbr.rel @!p0 .LBB2_5-.Ltmp1, $3  }
0x2d: {  	_ =	sdelay $0x1  }
0x2e: {  	[sflag:s5] =	ssyncset.done $0x0  }
0x2f: {  	[sflag:s5] =	ssyncadd.s32 $0xFFFFE000  }
.LBB2_1:
0x30: {  	[dreg:$0xa] =	wrdreg s9  }
0x31: {  	s8 =	rddreg [dreg:$0x4];
	s11 =	simm.s32 $0x11  }
0x32: {  	[tilespmem:s3], [sflag:$0x11] =	stream.linear.gather [hbm4b:s8+s3], $0x6400, $0x38;
	[tilespmem:$0x16400] =	vst v63  }
0x33: {  	_ =	swait.ge [sflag:s11], $0x6400  }
0x34: {  	[sflag:s11] =	ssyncset.done $0x0  }
0x35: {  	[sflag:s11] =	ssyncadd.s32 $0xFFFF9C00  }
0x36: {  	[tilespmem:s14], [sflag:$0x1] =	stream.indirect.gather [hbm4b:s4+s13], $0x40, s3, s13, $0xb8;
	[tilespmem:$0x16400] =	vst v63  }
0x37: {  	_ = 	snop  }
0x38: {  	[tilespmem:s15], [sflag:$0x2] =	stream.indirect.gather [hbm4b:s4+s13], $0x40, s13, s13, $0xb8;
	[tilespmem:$0x16400] =	vst v63  }
0x39: {  	s9 =	simm.s32 $0x100  }
0x3a: {  	[tilespmem:s17], [sflag:$0x3] =	stream.indirect.gather [hbm4b:s4+s13], $0x40, s9, s13, $0xb8;
	[tilespmem:$0x16400] =	vst v63  }
0x3b: {  	s10 =	simm.s32 $0x180  }
0x3c: {  	[tilespmem:s19], [sflag:$0x4] =	stream.indirect.gather [hbm4b:s4+s13], $0x40, s10, s13, $0xb8;
	[tilespmem:$0x16400] =	vst v63  }
0x3d: {  	s11 =	simm.s32 $0x200  }
0x3e: {  	[tilespmem:s21], [sflag:$0x5] =	stream.indirect.gather [hbm4b:s4+s13], $0x40, s11, s13, $0xb8;
	[tilespmem:$0x16400] =	vst v63  }
0x3f: {  	s9 =	simm.s32 $0x280  }
0x40: {  	[tilespmem:s23], [sflag:$0x6] =	stream.indirect.gather [hbm4b:s4+s13], $0x40, s9, s13, $0xb8;
	[tilespmem:$0x16400] =	vst v63  }
0x41: {  	s10 =	simm.s32 $0x300  }
0x42: {  	[tilespmem:s25], [sflag:$0x7] =	stream.indirect.gather [hbm4b:s4+s13], $0x40, s10, s13, $0xb8;
	[tilespmem:$0x16400] =	vst v63  }
0x43: {  	s8 =	rddreg [dreg:$0x1];
	s11 =	simm.s32 $0x380;
	s9 =	simm.s32 $0x0  }
0x44: {  	[tilespmem:s28], [sflag:$0x8] =	stream.indirect.gather [hbm4b:s4+s13], $0x40, s11, s13, $0xb8;
	[tilespmem:$0x16400] =	vst v63  }
.LBB2_2:
0x45: {  	_ =	swait.ge [sflag:s29], $0x2000  }
0x46: {  	[sflag:s29] =	ssyncset.done $0x0;
	s10 =	rddreg [dreg:$0x9]  }
0x47: {  	[sflag:s29] =	ssyncadd.s32 $0xFFFFE000;
	s10 =	sadd.s32 s8, s10  }
0x48: {  	[hbm4b:s10+s3] =	stream.linear.scatter [tilespmem:s14], [sflag:$0x9], $0x2000, $0x38;
	[tilespmem:$0x16400] =	vst v63  }
0x49: {  	_ =	swait.ge [sflag:s30], $0x2000  }
0x4a: {  	s11 =	rddreg [dreg:$0x3]  }
0x4b: {  	[sflag:s30] =	ssyncset.done $0x0;
	s10 =	sadd.s32 s8, s11  }
0x4c: {  	[sflag:s30] =	ssyncadd.s32 $0xFFFFE000;
	s11 =	sadd.s32 $0x400, s10  }
0x4d: {  	[hbm4b:s11+s3] =	stream.linear.scatter [tilespmem:s15], [sflag:$0xA], $0x2000, $0x38;
	[tilespmem:$0x16400] =	vst v63  }
0x4e: {  	_ =	swait.ge [sflag:s31], $0x2000  }
0x4f: {  	[sflag:s31] =	ssyncset.done $0x0;
	s11 =	rddreg [dreg:$0x8]  }
0x50: {  	[sflag:s31] =	ssyncadd.s32 $0xFFFFE000;
	s11 =	sadd.s32 s8, s11  }
0x51: {  	[hbm4b:s11+s3] =	stream.linear.scatter [tilespmem:s17], [sflag:$0xB], $0x2000, $0x38;
	[tilespmem:$0x16400] =	vst v63  }
0x52: {  	_ =	swait.ge [sflag:s1], $0x2000  }
0x53: {  	[sflag:s1] =	ssyncset.done $0x0  }
0x54: {  	s11 =	sadd.s32 $0xC00, s10;
	[sflag:s1] =	ssyncadd.s32 $0xFFFFE000  }
0x55: {  	[hbm4b:s11+s3] =	stream.linear.scatter [tilespmem:s19], [sflag:$0xC], $0x2000, $0x38;
	[tilespmem:$0x16400] =	vst v63  }
0x56: {  	_ =	swait.ge [sflag:s0], $0x2000  }
0x57: {  	[sflag:s0] =	ssyncset.done $0x0;
	s11 =	rddreg [dreg:$0x7]  }
0x58: {  	[sflag:s0] =	ssyncadd.s32 $0xFFFFE000;
	s11 =	sadd.s32 s8, s11  }
0x59: {  	[hbm4b:s11+s3] =	stream.linear.scatter [tilespmem:s21], [sflag:$0xD], $0x2000, $0x38;
	[tilespmem:$0x16400] =	vst v63  }
0x5a: {  	_ =	swait.ge [sflag:s2], $0x2000  }
0x5b: {  	[sflag:s2] =	ssyncset.done $0x0  }
0x5c: {  	s11 =	sadd.s32 $0x1400, s10;
	[sflag:s2] =	ssyncadd.s32 $0xFFFFE000  }
0x5d: {  	[hbm4b:s11+s3] =	stream.linear.scatter [tilespmem:s23], [sflag:$0xE], $0x2000, $0x38;
	[tilespmem:$0x16400] =	vst v63  }
0x5e: {  	_ =	swait.ge [sflag:s16], $0x2000  }
0x5f: {  	[sflag:s16] =	ssyncset.done $0x0;
	s11 =	rddreg [dreg:$0x6]  }
0x60: {  	[sflag:s16] =	ssyncadd.s32 $0xFFFFE000;
	s11 =	sadd.s32 s8, s11  }
0x61: {  	[hbm4b:s11+s3] =	stream.linear.scatter [tilespmem:s25], [sflag:$0xF], $0x2000, $0x38;
	[tilespmem:$0x16400] =	vst v63  }
0x62: {  	_ =	swait.ge [sflag:s18], $0x2000  }
0x63: {  	p0 =	seq.s32 s9, $0x18000;
	[sflag:s18] =	ssyncset.done $0x0  }
.Ltmp2:
0x64: {  	s10 =	sadd.s32 $0x1C00, s10;
	[sflag:s18] =	ssyncadd.s32 $0xFFFFE000;
	(pc) =	sbr.rel @p0 .LBB2_4-.Ltmp2, $4  }
0x65: {  	[hbm4b:s10+s3] =	stream.linear.scatter [tilespmem:s28], [sflag:$0x10], $0x2000, $0x38;
	[tilespmem:$0x16400] =	vst v63  }
0x66: {  	_ =	swait.ge [sflag:s20], $0x2000  }
0x67: {  	[sflag:s20] =	ssyncset.done $0x0  }
0x68: {  	[sflag:s20] =	ssyncadd.s32 $0xFFFFE000  }
0x69: {  	s10 =	sshra.s32 s9, $0x2  }
0x6a: {  	s11 =	sadd.s32 $0x400, s10  }
0x6b: {  	[tilespmem:s14], [sflag:$0x1] =	stream.indirect.gather [hbm4b:s4+s13], $0x40, s11, s13, $0xb8;
	[tilespmem:$0x16400] =	vst v63  }
0x6c: {  	_ =	swait.ge [sflag:s22], $0x2000  }
0x6d: {  	[sflag:s22] =	ssyncset.done $0x0  }
0x6e: {  	s11 =	sadd.s32 $0x480, s10;
	[sflag:s22] =	ssyncadd.s32 $0xFFFFE000  }
0x6f: {  	[tilespmem:s15], [sflag:$0x2] =	stream.indirect.gather [hbm4b:s4+s13], $0x40, s11, s13, $0xb8;
	[tilespmem:$0x16400] =	vst v63  }
0x70: {  	_ =	swait.ge [sflag:s24], $0x2000  }
0x71: {  	[sflag:s24] =	ssyncset.done $0x0  }
0x72: {  	s11 =	sadd.s32 $0x500, s10;
	[sflag:s24] =	ssyncadd.s32 $0xFFFFE000  }
0x73: {  	[tilespmem:s17], [sflag:$0x3] =	stream.indirect.gather [hbm4b:s4+s13], $0x40, s11, s13, $0xb8;
	[tilespmem:$0x16400] =	vst v63  }
0x74: {  	_ =	swait.ge [sflag:s26], $0x2000  }
0x75: {  	[sflag:s26] =	ssyncset.done $0x0  }
0x76: {  	s11 =	sadd.s32 $0x580, s10;
	[sflag:s26] =	ssyncadd.s32 $0xFFFFE000  }
0x77: {  	[tilespmem:s19], [sflag:$0x4] =	stream.indirect.gather [hbm4b:s4+s13], $0x40, s11, s13, $0xb8;
	[tilespmem:$0x16400] =	vst v63  }
0x78: {  	_ =	swait.ge [sflag:s6], $0x2000  }
0x79: {  	[sflag:s6] =	ssyncset.done $0x0  }
0x7a: {  	s11 =	sadd.s32 $0x600, s10;
	[sflag:s6] =	ssyncadd.s32 $0xFFFFE000  }
0x7b: {  	[tilespmem:s21], [sflag:$0x5] =	stream.indirect.gather [hbm4b:s4+s13], $0x40, s11, s13, $0xb8;
	[tilespmem:$0x16400] =	vst v63  }
0x7c: {  	_ =	swait.ge [sflag:s7], $0x2000  }
0x7d: {  	[sflag:s7] =	ssyncset.done $0x0  }
0x7e: {  	s11 =	sadd.s32 $0x680, s10;
	[sflag:s7] =	ssyncadd.s32 $0xFFFFE000  }
0x7f: {  	[tilespmem:s23], [sflag:$0x6] =	stream.indirect.gather [hbm4b:s4+s13], $0x40, s11, s13, $0xb8;
	[tilespmem:$0x16400] =	vst v63  }
0x80: {  	_ =	swait.ge [sflag:s12], $0x2000  }
0x81: {  	[sflag:s12] =	ssyncset.done $0x0  }
0x82: {  	s11 =	sadd.s32 $0x700, s10;
	[sflag:s12] =	ssyncadd.s32 $0xFFFFE000  }
0x83: {  	[tilespmem:s25], [sflag:$0x7] =	stream.indirect.gather [hbm4b:s4+s13], $0x40, s11, s13, $0xb8;
	[tilespmem:$0x16400] =	vst v63  }
.Ltmp3:
0x84: {  	_ = 	snop;
	(pc) =	sbr.rel .LBB2_2-.Ltmp3, $4  }
0x85: {  	_ =	swait.ge [sflag:s5], $0x2000  }
0x86: {  	s9 =	sadd.s32 $0x1000, s9;
	[sflag:s5] =	ssyncset.done $0x0  }
0x87: {  	s8 =	sadd.s32 $0x2000, s8;
	s10 =	sadd.s32 $0x780, s10;
	[sflag:s5] =	ssyncadd.s32 $0xFFFFE000  }
0x88: {  	[tilespmem:s28], [sflag:$0x8] =	stream.indirect.gather [hbm4b:s4+s13], $0x40, s10, s13, $0xb8;
	[tilespmem:$0x16400] =	vst v63  }
.LBB2_5:
0x89: {  	_ =	sfence.sel $0x180000  }
0x8a: {  	[bflag:$0x0] =	sbarrier.arrive $0xFFFF  }
0x8b: {  	_ =	strace $0x90000047  }
0x8c: {  	s0 =	stileid.u32;
	[bflag:$0x2] =	sbarrier.arrive $0xFFFF  }
0x8d: {  	p0 =	sne.s32 s0, $0x0;
	s0 =	rddreg [dreg:$0x2]  }
0x8e: {  	s0 =	sadd.s32 @!p0 $0x100000, s0  }
0x8f: {  	[sflag:s0] =	ssyncadd.tile.s32 @!p0 $0x1;
	_ =	shalt  }
.Lfunc_end2:
_tile_overlayer_lowered:
.L_overlay_start_2:
0x90: {  	(tag) =	ssettag $0x2  }
0x91: {  	s0 =	rddreg [dreg:$0x0];
	s2 =	stileid.u32  }
0x92: {  	s1 =	rddreg [dreg:$0x1];
	p0 =	sne.s32 s2, $0x0  }
0x93: {  	s3 =	rddreg [dreg:$0x2];
	[bflag:$0x3] =	sbarrier.arrive $0xFFFF;
	s2 =	simm.s32 @!p0 $0x1C11  }
0x94: {  	[timem:s3], [sflag:s2] =	dma.local @!p0 [hbm:s0], s1  }
0x95: {  	s0 =	simm.s32 @!p0 $0x11  }
0x96: {  	_ =	swait.ge @!p0 [sflag:s0], s1  }
0x97: {  	s1 =	ssub.s32 @!p0 $0x0, s1;
	[sflag:s0] =	ssyncset.done @!p0 $0x0  }
0x98: {  	[sflag:s0] =	ssyncadd.s32 @!p0 s1  }
0x99: {  	[bflag:$0x3] =	sbarrier.arrive $0xFFFF  }
0x9a: {  	_ =	shalt  }

// kernel: sparse-core-data-format-call.cloned.1.call-start
scs
called_computation_lowered:
.L_overlay_start_0:
0x0: {  	s2 =	sld [smem:$0x3FD9]  }
0x1: {  	s3 =	sld [smem:$0x3FFE];
	_ =	sdelay $0x1  }
0x2: {  	s1 =	srdreg.scid  }
0x3: {  	s0 =	sand.u32 $0x1, s1  }
0x4: {  	s18 =	sshll.u32 s0, $0xA;
	s2 =	sadd.s32 s3, s2  }
0x5: {  	s2 =	sadd.s32 s2, s18  }
0x6: {  	[smem:$0x3FC6] =	sst s2  }
0x7: {  	_ = 	snop  }
0x8: {  	s2 =	sld [smem:$0x3FD0];
	(tm) =	ssettm $0x1  }
0x9: {  	s19 =	sld [smem:$0x3FFB];
	_ =	sdelay $0x3  }
0xa: {  	_ =	strace s19  }
0xb: {  	s3 =	sld [smem:$0x3FFC];
	_ =	sdelay $0x3  }
0xc: {  	_ =	strace s3  }
0xd: {  	s3 =	sld [smem:$0x3FFD];
	_ =	sdelay $0x3  }
0xe: {  	_ =	strace s3  }
0xf: {  	_ =	strace $0x8FFFFFFF  }
0x10: {  	s20 =	sld [smem:$0x3FDB];
	_ =	sdelay $0x1  }
0x11: {  	s4 =	simm.s32 $_scs_section_size  }
0x12: {  	s5 =	simm.s32 $_size__tile_overlayer_lowered;
	s6 =	simm.s32 $_tile_overlayer_lowered  }
0x13: {  	s23 =	simm.s32 $0x1BFF;
	s22 =	sshll.u32 s6, $0x1;
	s3 =	sadd.s32 s4, s20  }
0x14: {  	s7 =	simm.s32 $0x0;
	s21 =	sshll.u32 s5, $0x1;
	s5 =	sadd.s32 s22, s3  }
0x15: {  	[timem:s7], [sflag:s23] =	dma.local [hbm:s5], s21  }
0x16: {  	_ =	swait.ge [sflag:s23], s21  }
0x17: {  	s4 =	ssub.s32 $0x0, s21;
	[sflag:s23] =	ssyncset.done $0x0  }
0x18: {  	[sflag:s23] =	ssyncadd.s32 s4;
	_ =	sdelay $0x1  }
0x19: {  	s24 =	simm.s32 $0x1B8B  }
0x1a: {  	_ =	swait.ge [sflag:s24], $0x1  }
0x1b: {  	[sflag:s24] =	ssyncset.done $0x0  }
0x1c: {  	s26 =	simm.s32 $0x1B8E;
	s25 =	sld [smem:$0x3FFE];
	[sflag:s24] =	ssyncadd.s32 $0xFFFFFFFF  }
0x1d: {  	s27 =	simm.s32 $execute0_lowered;
	[smem:$0x3FD2] =	sst s26  }
0x1e: {  	s5 =	sshll.u32 s27, $0x1;
	_ =	strace $0x80000049;
	[dreg:$0x1] =	wrdreg $0xFFFFFFFF  }
0x1f: {  	s28 =	simm.s32 $_size_execute0_lowered;
	s3 =	sadd.s32 s3, s5;
	[dreg:$0x0] =	wrdreg $0x0  }
0x20: {  	s5 =	sshll.u32 s28, $0x1;
	[dreg:$0x2] =	wrdreg s3  }
0x21: {  	[dreg:$0x3] =	wrdreg s5  }
0x22: {  	[dreg:$0x4] =	wrdreg $0xC0  }
0x23: {  	_ =	task [dreg:s7], $0x5FFFF  }
0x24: {  	[dreg:$0x1] =	wrdreg $0xFFFFFFFF  }
0x25: {  	[dreg:$0x0] =	wrdreg $0x60  }
0x26: {  	[dreg:$0x2] =	wrdreg s25  }
0x27: {  	[dreg:$0x3] =	wrdreg s2  }
0x28: {  	[dreg:$0x4] =	wrdreg $0x9  }
0x29: {  	_ =	task.clear_ibuf [dreg:s7], $0x5FFFF;
	_ =	strace $0x90000049  }
0x2a: {  	s29 =	simm.s32 $0x9;
	_ =	strace $0x8000004B  }
0x2b: {  	_ =	swait.ge [sflag:s29], $0x1  }
0x2c: {  	[sflag:s29] =	ssyncadd.s32 $0xFFFFFFFF  }
0x2d: {  	_ =	strace $0x9000004B  }
0x2e: {  	_ =	sfence  }
0x2f: {  	s30 =	sld [smem:$0x0];
	_ =	sdelay $0x2  }
0x30: {  	s31 =	sshll.u32 s1, $0xD;
	s1 =	sshrl.u32 s1, $0x2  }
0x31: {  	s3 =	sand.u32 $0x4000, s31;
	s1 =	sadd.s32 s1, s30  }
0x32: {  	s0 =	sor.u32 s3, s0;
	s1 =	sshll.u32 s1, $0x11  }
0x33: {  	s0 =	sor.u32 s1, s0  }
0x34: {  	s0 =	sadd.s32 $0x8F2B, s0  }
0x35: {  	[sflag:s0] =	ssyncadd.remote.s32 $0x1  }
0x36: {  	_ =	sfence.sel $0xFFFF  }
0x37: {  	[dreg:$0x0] =	wrdreg $0xFFFFFFFF;
	(pc) =	sbr.abs _section_cstart, $3  }
0x38: {  	[dreg:$0x1] =	wrdreg $0xFFFFFFFF  }
0x39: {  	_ =	task.clear_ibuf [dreg:s7], $0x2FFFF;
	_ =	strace $0x9FFFFFFF  }
0x3a: {  	(tm) =	ssettm $0x7FFFFFFF  }
0x3b: {  	_ =	shalt  }
tec
execute0_lowered:
.L_overlay_start_1:
0x0: {  	(tag) =	ssettag $0x1  }
0x1: {  	s0 =	srdreg.scid  }
0x2: {  	s1 =	sshll.u32 s0, $0x4  }
0x3: {  	s0 =	stileid.u32;
	s1 =	sand.u32 $0x10, s1  }
0x4: {  	s1 =	sor.u32 s0, s1  }
0x5: {  	s6 =	rddreg [dreg:$0x0];
	s4 =	simm.s32 $0x1;
	s2 =	sshll.u32 s1, $0x7  }
0x6: {  	s7 =	simm.s32 $0x2;
	s12 =	simm.s32 $0x0;
	s1 =	ssub.s32 $0x4000, s2  }
0x7: {  	s8 =	simm.s32 $0x20000;
	s13 =	simm.s32 $0x0;
	s3 =	sand.u32 $0xF80, s1  }
0x8: {  	s9 =	simm.s32 $0x0;
	s5 =	sshrl.u32 s1, $0xC;
	p0 =	sne.s32 s3, $0x0  }
.Ltmp0:
0x9: {  	s1 =	rddreg [dreg:$0x2];
	s4 =	simm.s32 @!p0 $0x0;
	(pc) =	sbr.rel .LBB1_1-.Ltmp0, $4  }
0xa: {  	s11 =	simm.s32 $0x0;
	s3 =	rddreg [dreg:$0x1];
	s5 =	sadd.s32 s4, s5  }
0xb: {  	_ =	strace $0x8000004A;
	s4 =	simm.s32 $0x1;
	s5 =	smul.u32 $0x32, s5  }
0xc: {  	s6 =	sadd.s32 $0xA00, s6;
	s10 =	smov.u32 s2;
	[sflag:s4] =	ssyncpa.u1 $0x0  }
0xd: {  	p0 =	por $0x0, $0x0;
	[sflag:s7] =	ssyncpa.u1 $0x0;
	s7 =	sor.u32 $0x1, s5  }
.LBB1_4:
0xe: {  	s16 =	sshll.u32 s13, $0x3;
	s17 =	sand.u32 $0x78, s13  }
0xf: {  	s30 =	sand.u32 $0x1F800, s13;
	s12 =	sshll.u32 s12, $0x11;
	s16 =	sand.u32 $0x3C00, s16  }
0x10: {  	[tilespmem:s15+$0x810 ss:$0x81] =	vst.msk $0xffff, v2;
	s31 =	sand.u32 $0x7, s13;
	s16 =	sor.u32 s17, s16;
	s17 =	sadd.s32 s3, s30  }
0x11: {  	[tilespmem:s15+$0x1020 ss:$0x81] =	vst.msk $0xffff, v0;
	s13 =	sshll.u32 s31, $0x12;
	s12 =	sadd.s32 s12, s17;
	s16 =	sshrl.u32 s16, $0x3  }
0x12: {  	[tilespmem:s15+$0x0 ss:$0x81] =	vst.msk $0xffff, v1;
	s13 =	sor.u32 $0x400, s13;
	s12 =	sadd.s32 s16, s12  }
0x13: {  	[hbm4b:s12+s13] =	stream.strided.scatter [tilespmem:s14], [sflag:$0x2], $0x2000, s8, s13, $0x20;
	[tilespmem:$0x8080] =	vst v63  }
.LBB1_5:
0x14: {  	s14 =	sadd.s32 $0x1, s9  }
0x15: {  	s12 =	sadd.s32 $0x1000, s10;
	s16 =	smov.u32 s10;
	p2 =	sgt.s32 s14, $0x31  }
0x16: {  	s16 =	smov.u32 @p2 s12  }
0x17: {  	s14 =	simm.s32 @p2 $0x0;
	p2 =	sgt.s32 s16, $0x3FFF  }
0x18: {  	s16 =	smov.u32 @p2 s2;
	p2 =	sne.s32 s11, s7  }
.Ltmp1:
0x19: {  	p1 =	slt.u32 s11, $0x2;
	(pc) =	sbr.rel @!p2 .LBB1_6-.Ltmp1, $4  }
0x1a: {  	s15 =	simm.s32 @!p1 $0x2  }
0x1b: {  	s13 =	smov.u32 s10;
	p0 =	por !p0, !p0;
	_ =	swait.ge @!p1 [sflag:s15], $0x2000  }
0x1c: {  	s12 =	smov.u32 s9;
	[sflag:s15] =	ssyncset.done @!p1 $0x0;
	s9 =	smov.u32 s14  }
0x1d: {  	s11 =	sadd.s32 $0x1, s11;
	[sflag:s15] =	ssyncadd.s32 @!p1 $0xFFFFE000;
	s10 =	smov.u32 s16  }
.LBB1_1:
0x1e: {  	p1 =	sge.u32 s11, s5  }
0x1f: {  	s14 =	sand.u32 @!p1 $0x1FFFFFF, s9  }
0x20: {  	s15 =	smulhi.u32 @!p1 $0x4924925, s14;
	_ =	sdelay $0x1  }
0x21: {  	s15 =	smul.u32 @!p1 $0x38, s15  }
0x22: {  	s16 =	sxor.u32 @!p1 $0xFFFFFFFF, s11;
	s17 =	smul.u32 @!p1 $0x380, s10  }
0x23: {  	s31 =	sadd.s32 $0xFFFFFFFF, s11;
	s16 =	sshll.u32 @!p1 s16, $0xD;
	s14 =	ssub.s32 @!p1 s14, s15  }
0x24: {  	s15 =	sand.u32 @!p1 $0x2000, s16;
	s16 =	sadd.s32 @!p1 s6, s17;
	s14 =	sshll.u32 @!p1 s14, $0x4  }
0x25: {  	s17 =	simm.s32 @!p1 $0x1C00;
	s14 =	sadd.s32 @!p1 s14, s16;
	s16 =	simm.s32 @!p1 $0x40  }
0x26: {  	[tilespmem:s15], [sflag:$0x1] =	stream.strided.gather @!p1 [hbm4b:s14+s16], $0x2000, s17, s16, $0x38;
	[tilespmem:$0x8080] =	vst v63  }
0x27: {  	p1 =	sge.u32 s31, s5  }
.Ltmp2:
0x28: {  	_ = 	snop;
	(pc) =	sbr.rel @p1 .LBB1_5-.Ltmp2, $1  }
0x29: {  	_ =	sdelay $0x3  }
0x2a: {  	s14 =	simm.s32 $0x1  }
0x2b: {  	_ =	swait.ge [sflag:s4], $0x2000;
	s14 =	simm.s32 @!p0 $0x0  }
0x2c: {  	[sflag:s4] =	ssyncset.done $0x0;
	s15 =	sshll.u32 s14, $0xD  }
0x2d: {  	[sflag:s4] =	ssyncadd.s32 $0xFFFFE000;
	s18 =	sor.u32 $0x20, s15  }
0x2e: {  	s14 =	smul.u32 $0x8100, s14;
	v3 =	vld [tilespmem:s18+$0x10]  }
0x2f: {  	s30 =	sand.u32 $0x1, s11;
	v2 =	vld [tilespmem:s18+$0xFFFFFFF0]  }
0x30: {  	s15 =	smul.u32 $0x8100, s30;
	s14 =	sshrl.u32 s14, $0x2;
	v0 =	vld [tilespmem:s18+$0x0]  }
0x31: {  	v1 =	vld [tilespmem:s18+$0xFFFFFFE0];
	s16 =	sor.u32 $0x4000, s14  }
0x32: {  	s31 =	sshrl.u32 s15, $0x2;
	s15 =	sadd.s32 $0x0, s16  }
0x33: {  	s17 =	simm.s32 $0x4;
	s18 =	sadd.s32 $0x40, s18;
	s14 =	sor.u32 $0x4000, s31;
	[tilespmem:s15+$0x1830 ss:$0x81] =	vst.msk $0xffff, v3  }
.LBB1_3:
0x34: {  	v3 =	vld [tilespmem:s18+$0x10];
	p1 =	sne.s32 s17, $0x1FC;
	[tilespmem:s15+$0x810 ss:$0x81] =	vst.msk $0xffff, v2;
	s19 =	smov.u32 s17;
	s17 =	sadd.s32 $0x4, s17  }
.Ltmp3:
0x35: {  	v2 =	vld [tilespmem:s18+$0xFFFFFFF0];
	[tilespmem:s15+$0x1020 ss:$0x81] =	vst.msk $0xffff, v0;
	(pc) =	sbr.rel @p1 .LBB1_3-.Ltmp3, $4  }
0x36: {  	v0 =	vld [tilespmem:s18+$0x0];
	[tilespmem:s15+$0x0 ss:$0x81] =	vst.msk $0xffff, v1  }
0x37: {  	s15 =	sshra.s32 s19, $0x2;
	v1 =	vld [tilespmem:s18+$0xFFFFFFE0]  }
0x38: {  	s15 =	sadd.s32 s15, s16  }
0x39: {  	s18 =	sadd.s32 $0x40, s18;
	[tilespmem:s15+$0x1830 ss:$0x81] =	vst.msk $0xffff, v3  }
.Ltmp4:
0x3a: {  	_ = 	snop;
	(pc) =	sbr.rel .LBB1_4-.Ltmp4, $1  }
0x3b: {  	_ =	sdelay $0x3  }
.LBB1_6:
0x3c: {  	_ =	sfence.sel $0x180000  }
0x3d: {  	s2 =	simm.s32 $0x1;
	[bflag:$0x0] =	sbarrier.arrive $0xFFFF  }
0x3e: {  	s31 =	simm.s32 $0x2;
	[sflag:s2] =	ssyncpa.u1 $0x1  }
0x3f: {  	[sflag:s31] =	ssyncpa.u1 $0x1  }
0x40: {  	p0 =	sne.s32 s0, $0x0;
	_ =	strace $0x9000004A  }
0x41: {  	s0 =	sadd.s32 @!p0 $0x100000, s1;
	[bflag:$0x2] =	sbarrier.arrive $0xFFFF  }
0x42: {  	[sflag:s0] =	ssyncadd.tile.s32 @!p0 $0x1;
	_ =	shalt  }
.Lfunc_end1:
_tile_overlayer_lowered:
.L_overlay_start_2:
0x43: {  	(tag) =	ssettag $0x2  }
0x44: {  	s0 =	rddreg [dreg:$0x0];
	s2 =	stileid.u32  }
0x45: {  	s1 =	rddreg [dreg:$0x1];
	p0 =	sne.s32 s2, $0x0  }
0x46: {  	s3 =	rddreg [dreg:$0x2];
	[bflag:$0x3] =	sbarrier.arrive $0xFFFF;
	s2 =	simm.s32 @!p0 $0x1C01  }
0x47: {  	[timem:s3], [sflag:s2] =	dma.local @!p0 [hbm:s0], s1  }
0x48: {  	s0 =	simm.s32 @!p0 $0x1  }
0x49: {  	_ =	swait.ge @!p0 [sflag:s0], s1  }
0x4a: {  	s1 =	ssub.s32 @!p0 $0x0, s1;
	[sflag:s0] =	ssyncset.done @!p0 $0x0  }
0x4b: {  	[sflag:s0] =	ssyncadd.s32 @!p0 s1  }
0x4c: {  	[bflag:$0x3] =	sbarrier.arrive $0xFFFF  }
0x4d: {  	_ =	shalt  }

</sc_bundles>
